<compile_context>
chip_gen: v7x
topology: tpu7x:2x2x1
jax: 0.10.2.dev20260603
libtpu: 0.0.44.dev20260713+nightly
codegen_flags: <defaults>
</compile_context>

<pallas_src>
import functools

import jax
import jax.numpy as jnp
from jax import lax
from jax.experimental import pallas as pl
from jax.experimental.pallas import tpu as pltpu
from jax.experimental.pallas import tpu_sc as plsc

_B = 16384
_NC = 2
_NS = 16
_NW = _NC * _NS
_COLS = _B // _NW
_STEPS = _COLS // 16

_mesh = plsc.VectorSubcoreMesh(
    core_axis_name="c", subcore_axis_name="s", num_cores=_NC, num_subcores=_NS
)


@functools.partial(
    pl.kernel,
    out_type=jax.ShapeDtypeStruct((4, _B), jnp.float32),
    mesh=_mesh,
    compiler_params=pltpu.CompilerParams(
        needs_layout_passes=False, use_tc_tiling_on_sc=True),
    scratch_types=[
        pltpu.VMEM((5, _COLS), jnp.int32),
        pltpu.VMEM((2, _COLS), jnp.float32),
        pltpu.VMEM((2, _COLS), jnp.float32),
        pltpu.VMEM((2, 31), jnp.float32),
        pltpu.VMEM((2, 31), jnp.float32),
        pltpu.VMEM((2, 31), jnp.float32),
        pltpu.VMEM((2, 31), jnp.float32),
        pltpu.VMEM((4, _COLS), jnp.float32),
        pltpu.SemaphoreType.DMA,
    ],
)
def _rank_sc(stim_hbm, gw1_hbm, gw0_hbm, e0_hbm, e1_hbm, e2_hbm, e3_hbm,
             out_hbm, stim_v, gw1_v, gw0_v, e0_v, e1_v, e2_v, e3_v, out_v,
             sem):
    wid = lax.axis_index("s") * _NC + lax.axis_index("c")
    base = wid * _COLS

    copies = [
        pltpu.async_copy(stim_hbm.at[:, pl.ds(base, _COLS)], stim_v, sem),
        pltpu.async_copy(gw1_hbm.at[:, pl.ds(base, _COLS)], gw1_v, sem),
        pltpu.async_copy(gw0_hbm.at[:, pl.ds(base, _COLS)], gw0_v, sem),
        pltpu.async_copy(e0_hbm, e0_v, sem),
        pltpu.async_copy(e1_hbm, e1_v, sem),
        pltpu.async_copy(e2_hbm, e2_v, sem),
        pltpu.async_copy(e3_hbm, e3_v, sem),
    ]
    for c in copies:
        c.wait()

    zero = jnp.zeros((16,), jnp.int32)
    one = jnp.full((16,), 1, jnp.int32)

    @plsc.parallel_loop(0, _STEPS, unroll=4)
    def step(i):
        rbase = i * 16
        g0 = gw1_v[0, pl.ds(rbase, 16)]
        a0 = gw0_v[0, pl.ds(rbase, 16)]
        a1 = 1.0 - a0
        g1 = 1.0 - g0
        c0 = a0 * g0
        c1 = a0 * g1
        c2 = a1 * g0
        c3 = a1 * g1

        zx = []
        zy = []
        for j in range(5):
            s = stim_v[j, pl.ds(rbase, 16)]
            vx = (c0 * plsc.load_gather(e0_v, [zero, s])
                  + c1 * plsc.load_gather(e1_v, [zero, s])
                  + c2 * plsc.load_gather(e2_v, [zero, s])
                  + c3 * plsc.load_gather(e3_v, [zero, s]))
            vy = (c0 * plsc.load_gather(e0_v, [one, s])
                  + c1 * plsc.load_gather(e1_v, [one, s])
                  + c2 * plsc.load_gather(e2_v, [one, s])
                  + c3 * plsc.load_gather(e3_v, [one, s]))
            zx.append(vx)
            zy.append(vy)

        es = []
        for j in range(1, 5):
            dx = zx[0] - zx[j]
            dy = zy[0] - zy[j]
            q = 1.2 * dx * dx + 0.8 * dy * dy
            q = jnp.maximum(q, jnp.float32(1e-30))
            bits = lax.bitcast_convert_type(q, jnp.int32)
            bits = 0x5F3759DF - (bits >> 1)
            r = lax.bitcast_convert_type(bits, jnp.float32)
            hq = 0.5 * q
            for _ in range(3):
                r = r * (1.5 - hq * r * r)
            dist = q * r
            es.append(jnp.exp(-10.0 * dist))

        inv = 1.0 / (es[0] + es[1] + es[2] + es[3])
        for j in range(4):
            out_v[j, pl.ds(rbase, 16)] = es[j] * inv

    pltpu.sync_copy(out_v, out_hbm.at[:, pl.ds(base, _COLS)])


def kernel(given4rank1_stimulus_set, percept_gate_weights_1,
           percept_gate_weights_0, E0, E1, E2, E3):
    stim_t = given4rank1_stimulus_set.astype(jnp.int32).T
    out = _rank_sc(stim_t, percept_gate_weights_1.T, percept_gate_weights_0.T,
                   E0.T, E1.T, E2.T, E3.T)
    return out.T

# --- scband reference (transcript-rebuilt; emitter-appended) ---
"""Pipeline reference for scband-rank-model-d-19250043421195 (READ-ONLY COPY).

The authoritative reference and input builder live on the scoring server;
editing this copy changes nothing except your own understanding.
"""

import jax, jax.numpy as jnp
import numpy as np

B = 16384
N_STIM = 30
N_DIM = 2


def setup_inputs(seed: int = 0) -> dict:
    key = jax.random.key(seed)
    ks = jax.random.split(key, 8)
    # stimulus indices in [1, 30] (0 is the mask index, avoided)
    stimulus_set = jax.random.randint(ks[0], (B, 5), 1, N_STIM + 1)
    gw1 = jax.random.uniform(ks[1], (B, 2), dtype=jnp.float32)
    gw1 = gw1 / jnp.sum(gw1, axis=-1, keepdims=True)
    gw0 = jax.random.uniform(ks[2], (B, 2), dtype=jnp.float32)
    gw0 = gw0 / jnp.sum(gw0, axis=-1, keepdims=True)
    E0 = jax.random.normal(ks[3], (N_STIM + 1, N_DIM), dtype=jnp.float32)
    E1 = jax.random.normal(ks[4], (N_STIM + 1, N_DIM), dtype=jnp.float32)
    E2 = jax.random.normal(ks[5], (N_STIM + 1, N_DIM), dtype=jnp.float32)
    E3 = jax.random.normal(ks[6], (N_STIM + 1, N_DIM), dtype=jnp.float32)
    return {
        "given4rank1_stimulus_set": stimulus_set,
        "percept_gate_weights_1": gw1,
        "percept_gate_weights_0": gw0,
        "E0": E0, "E1": E1, "E2": E2, "E3": E3,
    }


def reference(given4rank1_stimulus_set, percept_gate_weights_1, percept_gate_weights_0, E0, E1, E2, E3):
    stim = given4rank1_stimulus_set
    # Embedding lookups (gather): (B, 5, n_dim)
    z0 = jnp.take(E0, stim, axis=0)
    z1 = jnp.take(E1, stim, axis=0)
    z2 = jnp.take(E2, stim, axis=0)
    z3 = jnp.take(E3, stim, axis=0)
    # Inner BraidGates (gating_index=-1 -> percept_gate_weights_1)
    gw1 = percept_gate_weights_1[:, None, :]  # (B, 1, 2)
    z01 = gw1[..., 0:1] * z0 + gw1[..., 1:2] * z1
    z23 = gw1[..., 0:1] * z2 + gw1[..., 1:2] * z3
    # Outer BraidGate (gating_index=-1 -> percept_gate_weights_0)
    gw0 = percept_gate_weights_0[:, None, :]
    z = gw0[..., 0:1] * z01 + gw0[..., 1:2] * z23  # (B, 5, n_dim)
    # Split query / references along stimuli axis
    z_q = z[:, :1, :]   # (B, 1, n_dim)
    z_r = z[:, 1:, :]   # (B, 4, n_dim)
    # Minkowski distance, rho=2, w=[1.2, 0.8]
    rho = 2.0
    w = jnp.array([1.2, 0.8], dtype=jnp.float32)
    d = jnp.power(jnp.sum(w * jnp.power(jnp.abs(z_q - z_r), rho), axis=-1), 1.0 / rho)  # (B, 4)
    # ExponentialSimilarity: exp(-beta * d^tau) + gamma, beta=10, tau=1, gamma=0
    s = jnp.exp(-10.0 * d) + 0.0
    # SoftRank n_select=1: Luce choice probabilities over the 4 references
    p = s / jnp.sum(s, axis=-1, keepdims=True)
    return p


if False:  # reference __main__ guard neutralized (emitter)
    out = reference(**setup_inputs())
    print(out.shape, out.dtype)

if __name__ == "__main__":
    import jax
    _d = setup_inputs()
    print(jax.jit(kernel)(*tuple(_d.values())))

</pallas_src>

<mosaic_0001>
#map = affine_map<(d0, d1) -> (0, 0)>
module attributes {stable_mosaic.version = 14 : i64} {
  func.func @_rank_sc(%arg0: i32, %arg1: i32, %arg2: memref<5x16384xi32, #tpu.memory_space<hbm>>, %arg3: memref<2x16384xf32, #tpu.memory_space<hbm>>, %arg4: memref<2x16384xf32, #tpu.memory_space<hbm>>, %arg5: memref<2x31xf32, #tpu.memory_space<hbm>>, %arg6: memref<2x31xf32, #tpu.memory_space<hbm>>, %arg7: memref<2x31xf32, #tpu.memory_space<hbm>>, %arg8: memref<2x31xf32, #tpu.memory_space<hbm>>, %arg9: memref<4x16384xf32, #tpu.memory_space<hbm>>, %arg10: memref<5x512xi32, #tpu.memory_space<vmem>>, %arg11: memref<2x512xf32, #tpu.memory_space<vmem>>, %arg12: memref<2x512xf32, #tpu.memory_space<vmem>>, %arg13: memref<2x31xf32, #tpu.memory_space<vmem>>, %arg14: memref<2x31xf32, #tpu.memory_space<vmem>>, %arg15: memref<2x31xf32, #tpu.memory_space<vmem>>, %arg16: memref<2x31xf32, #tpu.memory_space<vmem>>, %arg17: memref<4x512xf32, #tpu.memory_space<vmem>>, %arg18: memref<!tpu.dma_semaphore, #tpu.memory_space<semaphore_mem>>) attributes {dimension_semantics = [#tpu.dimension_semantics<core_parallel>, #tpu.dimension_semantics<subcore_parallel>], iteration_bounds = array<i64: 2, 16>, scalar_prefetch = 0 : i64, scratch_operands = 9 : i64, tpu.core_type = #tpu.core_type<sc_vector_subcore>, window_params = [{transform_indices = #map}, {transform_indices = #map}, {transform_indices = #map}, {transform_indices = #map}, {transform_indices = #map}, {transform_indices = #map}, {transform_indices = #map}, {transform_indices = #map}]} {
    %mul3A = arith.constant 2 : i32
    %mul3A_0 = arith.muli %arg1, %mul3A : i32
    %add3A = arith.addi %mul3A_0, %arg0 : i32
    %mul3A_1 = arith.constant 512 : i32
    %mul3A_2 = arith.muli %add3A, %mul3A_1 : i32
    %dma_start3A = arith.constant 0 : i32
    %dma_start3A_3 = tpu.memref_slice %arg2[%dma_start3A, %mul3A_2] : memref<5x16384xi32, #tpu.memory_space<hbm>> -> memref<5x512xi32, #tpu.memory_space<hbm>>
    %dma_start3A_4 = arith.constant 0 : i32
    %dma_start3A_5 = tpu.memref_slice %arg2[%dma_start3A_4, %mul3A_2] : memref<5x16384xi32, #tpu.memory_space<hbm>> -> memref<5x512xi32, #tpu.memory_space<hbm>>
    tpu.enqueue_dma source(%dma_start3A_5 : memref<5x512xi32, #tpu.memory_space<hbm>>) target(%arg10 : memref<5x512xi32, #tpu.memory_space<vmem>>) target_semaphore(%arg18 : memref<!tpu.dma_semaphore, #tpu.memory_space<semaphore_mem>>)
    %dma_start3A_6 = arith.constant 0 : i32
    %dma_start3A_7 = tpu.memref_slice %arg3[%dma_start3A_6, %mul3A_2] : memref<2x16384xf32, #tpu.memory_space<hbm>> -> memref<2x512xf32, #tpu.memory_space<hbm>>
    %dma_start3A_8 = arith.constant 0 : i32
    %dma_start3A_9 = tpu.memref_slice %arg3[%dma_start3A_8, %mul3A_2] : memref<2x16384xf32, #tpu.memory_space<hbm>> -> memref<2x512xf32, #tpu.memory_space<hbm>>
    tpu.enqueue_dma source(%dma_start3A_9 : memref<2x512xf32, #tpu.memory_space<hbm>>) target(%arg11 : memref<2x512xf32, #tpu.memory_space<vmem>>) target_semaphore(%arg18 : memref<!tpu.dma_semaphore, #tpu.memory_space<semaphore_mem>>)
    %dma_start3A_10 = arith.constant 0 : i32
    %dma_start3A_11 = tpu.memref_slice %arg4[%dma_start3A_10, %mul3A_2] : memref<2x16384xf32, #tpu.memory_space<hbm>> -> memref<2x512xf32, #tpu.memory_space<hbm>>
    %dma_start3A_12 = arith.constant 0 : i32
    %dma_start3A_13 = tpu.memref_slice %arg4[%dma_start3A_12, %mul3A_2] : memref<2x16384xf32, #tpu.memory_space<hbm>> -> memref<2x512xf32, #tpu.memory_space<hbm>>
    tpu.enqueue_dma source(%dma_start3A_13 : memref<2x512xf32, #tpu.memory_space<hbm>>) target(%arg12 : memref<2x512xf32, #tpu.memory_space<vmem>>) target_semaphore(%arg18 : memref<!tpu.dma_semaphore, #tpu.memory_space<semaphore_mem>>)
    tpu.enqueue_dma source(%arg5 : memref<2x31xf32, #tpu.memory_space<hbm>>) target(%arg13 : memref<2x31xf32, #tpu.memory_space<vmem>>) target_semaphore(%arg18 : memref<!tpu.dma_semaphore, #tpu.memory_space<semaphore_mem>>)
    tpu.enqueue_dma source(%arg6 : memref<2x31xf32, #tpu.memory_space<hbm>>) target(%arg14 : memref<2x31xf32, #tpu.memory_space<vmem>>) target_semaphore(%arg18 : memref<!tpu.dma_semaphore, #tpu.memory_space<semaphore_mem>>)
    tpu.enqueue_dma source(%arg7 : memref<2x31xf32, #tpu.memory_space<hbm>>) target(%arg15 : memref<2x31xf32, #tpu.memory_space<vmem>>) target_semaphore(%arg18 : memref<!tpu.dma_semaphore, #tpu.memory_space<semaphore_mem>>)
    tpu.enqueue_dma source(%arg8 : memref<2x31xf32, #tpu.memory_space<hbm>>) target(%arg16 : memref<2x31xf32, #tpu.memory_space<vmem>>) target_semaphore(%arg18 : memref<!tpu.dma_semaphore, #tpu.memory_space<semaphore_mem>>)
    %dma_wait3A = arith.constant 0 : i32
    %dma_wait3A_14 = tpu.memref_slice %arg2[%dma_wait3A, %mul3A_2] : memref<5x16384xi32, #tpu.memory_space<hbm>> -> memref<5x512xi32, #tpu.memory_space<hbm>>
    %dma_wait3A_15 = arith.constant 0 : i32
    %dma_wait3A_16 = tpu.memref_slice %arg2[%dma_wait3A_15, %mul3A_2] : memref<5x16384xi32, #tpu.memory_space<hbm>> -> memref<5x512xi32, #tpu.memory_space<hbm>>
    tpu.wait_dma2 semaphore(%arg18 : memref<!tpu.dma_semaphore, #tpu.memory_space<semaphore_mem>>) src(%dma_wait3A_16 : memref<5x512xi32, #tpu.memory_space<hbm>>) dst(%arg10 : memref<5x512xi32, #tpu.memory_space<vmem>>)
    %dma_wait3A_17 = arith.constant 0 : i32
    %dma_wait3A_18 = tpu.memref_slice %arg3[%dma_wait3A_17, %mul3A_2] : memref<2x16384xf32, #tpu.memory_space<hbm>> -> memref<2x512xf32, #tpu.memory_space<hbm>>
    %dma_wait3A_19 = arith.constant 0 : i32
    %dma_wait3A_20 = tpu.memref_slice %arg3[%dma_wait3A_19, %mul3A_2] : memref<2x16384xf32, #tpu.memory_space<hbm>> -> memref<2x512xf32, #tpu.memory_space<hbm>>
    tpu.wait_dma2 semaphore(%arg18 : memref<!tpu.dma_semaphore, #tpu.memory_space<semaphore_mem>>) src(%dma_wait3A_20 : memref<2x512xf32, #tpu.memory_space<hbm>>) dst(%arg11 : memref<2x512xf32, #tpu.memory_space<vmem>>)
    %dma_wait3A_21 = arith.constant 0 : i32
    %dma_wait3A_22 = tpu.memref_slice %arg4[%dma_wait3A_21, %mul3A_2] : memref<2x16384xf32, #tpu.memory_space<hbm>> -> memref<2x512xf32, #tpu.memory_space<hbm>>
    %dma_wait3A_23 = arith.constant 0 : i32
    %dma_wait3A_24 = tpu.memref_slice %arg4[%dma_wait3A_23, %mul3A_2] : memref<2x16384xf32, #tpu.memory_space<hbm>> -> memref<2x512xf32, #tpu.memory_space<hbm>>
    tpu.wait_dma2 semaphore(%arg18 : memref<!tpu.dma_semaphore, #tpu.memory_space<semaphore_mem>>) src(%dma_wait3A_24 : memref<2x512xf32, #tpu.memory_space<hbm>>) dst(%arg12 : memref<2x512xf32, #tpu.memory_space<vmem>>)
    tpu.wait_dma2 semaphore(%arg18 : memref<!tpu.dma_semaphore, #tpu.memory_space<semaphore_mem>>) src(%arg5 : memref<2x31xf32, #tpu.memory_space<hbm>>) dst(%arg13 : memref<2x31xf32, #tpu.memory_space<vmem>>)
    tpu.wait_dma2 semaphore(%arg18 : memref<!tpu.dma_semaphore, #tpu.memory_space<semaphore_mem>>) src(%arg6 : memref<2x31xf32, #tpu.memory_space<hbm>>) dst(%arg14 : memref<2x31xf32, #tpu.memory_space<vmem>>)
    tpu.wait_dma2 semaphore(%arg18 : memref<!tpu.dma_semaphore, #tpu.memory_space<semaphore_mem>>) src(%arg7 : memref<2x31xf32, #tpu.memory_space<hbm>>) dst(%arg15 : memref<2x31xf32, #tpu.memory_space<vmem>>)
    tpu.wait_dma2 semaphore(%arg18 : memref<!tpu.dma_semaphore, #tpu.memory_space<semaphore_mem>>) src(%arg8 : memref<2x31xf32, #tpu.memory_space<hbm>>) dst(%arg16 : memref<2x31xf32, #tpu.memory_space<vmem>>)
    %broadcast_in_dim3A = arith.constant 0 : i32
    %broadcast_in_dim3A_25 = vector.broadcast %broadcast_in_dim3A : i32 to vector<16xi32>
    %broadcast_in_dim3A_26 = arith.constant 1 : i32
    %broadcast_in_dim3A_27 = vector.broadcast %broadcast_in_dim3A_26 : i32 to vector<16xi32>
    %parallel_loop3A = arith.constant 0 : i32
    %parallel_loop3A_28 = arith.constant 32 : i32
    %parallel_loop3A_29 = arith.constant 1 : i32
    scf.for %parallel_loop3A_30 = %parallel_loop3A to %parallel_loop3A_28 step %parallel_loop3A_29  : i32 {
      %parallel_loop3A_31 = arith.constant 16 : i32
      %parallel_loop3A_32 = arith.muli %parallel_loop3A_30, %parallel_loop3A_31 : i32
      %parallel_loop3A_33 = arith.constant 0 : i32
      %parallel_loop3A_34 = arith.index_cast %parallel_loop3A_33 : i32 to index
      %parallel_loop3A_35 = arith.index_cast %parallel_loop3A_32 : i32 to index
      %parallel_loop3A_36 = tpu.vector_load %arg11[%parallel_loop3A_34, %parallel_loop3A_35] {strides = array<i32>} : memref<2x512xf32, #tpu.memory_space<vmem>>, vector<16xf32>,
      %parallel_loop3A_37 = arith.constant 0 : i32
      %parallel_loop3A_38 = arith.index_cast %parallel_loop3A_37 : i32 to index
      %parallel_loop3A_39 = arith.index_cast %parallel_loop3A_32 : i32 to index
      %parallel_loop3A_40 = tpu.vector_load %arg12[%parallel_loop3A_38, %parallel_loop3A_39] {strides = array<i32>} : memref<2x512xf32, #tpu.memory_space<vmem>>, vector<16xf32>,
      %parallel_loop3A_41 = arith.constant 1.000000e+00 : f32
      %parallel_loop3A_42 = vector.broadcast %parallel_loop3A_41 : f32 to vector<16xf32>
      %parallel_loop3A_43 = arith.subf %parallel_loop3A_42, %parallel_loop3A_40 : vector<16xf32>
      %parallel_loop3A_44 = arith.constant 1.000000e+00 : f32
      %parallel_loop3A_45 = vector.broadcast %parallel_loop3A_44 : f32 to vector<16xf32>
      %parallel_loop3A_46 = arith.subf %parallel_loop3A_45, %parallel_loop3A_36 : vector<16xf32>
      %parallel_loop3A_47 = arith.mulf %parallel_loop3A_40, %parallel_loop3A_36 : vector<16xf32>
      %parallel_loop3A_48 = arith.mulf %parallel_loop3A_40, %parallel_loop3A_46 : vector<16xf32>
      %parallel_loop3A_49 = arith.mulf %parallel_loop3A_43, %parallel_loop3A_36 : vector<16xf32>
      %parallel_loop3A_50 = arith.mulf %parallel_loop3A_43, %parallel_loop3A_46 : vector<16xf32>
      %parallel_loop3A_51 = arith.constant 0 : i32
      %parallel_loop3A_52 = arith.index_cast %parallel_loop3A_51 : i32 to index
      %parallel_loop3A_53 = arith.index_cast %parallel_loop3A_32 : i32 to index
      %parallel_loop3A_54 = tpu.vector_load %arg10[%parallel_loop3A_52, %parallel_loop3A_53] {strides = array<i32>} : memref<5x512xi32, #tpu.memory_space<vmem>>, vector<16xi32>,
      %parallel_loop3A_55 = tpu.vector_load_idx %arg13[%broadcast_in_dim3A_25, %parallel_loop3A_54] : memref<2x31xf32, #tpu.memory_space<vmem>>[vector<16xi32>, vector<16xi32>], vector<16xf32>,
      %parallel_loop3A_56 = arith.mulf %parallel_loop3A_47, %parallel_loop3A_55 : vector<16xf32>
      %parallel_loop3A_57 = tpu.vector_load_idx %arg14[%broadcast_in_dim3A_25, %parallel_loop3A_54] : memref<2x31xf32, #tpu.memory_space<vmem>>[vector<16xi32>, vector<16xi32>], vector<16xf32>,
      %parallel_loop3A_58 = arith.mulf %parallel_loop3A_48, %parallel_loop3A_57 : vector<16xf32>
      %parallel_loop3A_59 = arith.addf %parallel_loop3A_56, %parallel_loop3A_58 : vector<16xf32>
      %parallel_loop3A_60 = tpu.vector_load_idx %arg15[%broadcast_in_dim3A_25, %parallel_loop3A_54] : memref<2x31xf32, #tpu.memory_space<vmem>>[vector<16xi32>, vector<16xi32>], vector<16xf32>,
      %parallel_loop3A_61 = arith.mulf %parallel_loop3A_49, %parallel_loop3A_60 : vector<16xf32>
      %parallel_loop3A_62 = arith.addf %parallel_loop3A_59, %parallel_loop3A_61 : vector<16xf32>
      %parallel_loop3A_63 = tpu.vector_load_idx %arg16[%broadcast_in_dim3A_25, %parallel_loop3A_54] : memref<2x31xf32, #tpu.memory_space<vmem>>[vector<16xi32>, vector<16xi32>], vector<16xf32>,
      %parallel_loop3A_64 = arith.mulf %parallel_loop3A_50, %parallel_loop3A_63 : vector<16xf32>
      %parallel_loop3A_65 = arith.addf %parallel_loop3A_62, %parallel_loop3A_64 : vector<16xf32>
      %parallel_loop3A_66 = tpu.vector_load_idx %arg13[%broadcast_in_dim3A_27, %parallel_loop3A_54] : memref<2x31xf32, #tpu.memory_space<vmem>>[vector<16xi32>, vector<16xi32>], vector<16xf32>,
      %parallel_loop3A_67 = arith.mulf %parallel_loop3A_47, %parallel_loop3A_66 : vector<16xf32>
      %parallel_loop3A_68 = tpu.vector_load_idx %arg14[%broadcast_in_dim3A_27, %parallel_loop3A_54] : memref<2x31xf32, #tpu.memory_space<vmem>>[vector<16xi32>, vector<16xi32>], vector<16xf32>,
      %parallel_loop3A_69 = arith.mulf %parallel_loop3A_48, %parallel_loop3A_68 : vector<16xf32>
      %parallel_loop3A_70 = arith.addf %parallel_loop3A_67, %parallel_loop3A_69 : vector<16xf32>
      %parallel_loop3A_71 = tpu.vector_load_idx %arg15[%broadcast_in_dim3A_27, %parallel_loop3A_54] : memref<2x31xf32, #tpu.memory_space<vmem>>[vector<16xi32>, vector<16xi32>], vector<16xf32>,
      %parallel_loop3A_72 = arith.mulf %parallel_loop3A_49, %parallel_loop3A_71 : vector<16xf32>
      %parallel_loop3A_73 = arith.addf %parallel_loop3A_70, %parallel_loop3A_72 : vector<16xf32>
      %parallel_loop3A_74 = tpu.vector_load_idx %arg16[%broadcast_in_dim3A_27, %parallel_loop3A_54] : memref<2x31xf32, #tpu.memory_space<vmem>>[vector<16xi32>, vector<16xi32>], vector<16xf32>,
      %parallel_loop3A_75 = arith.mulf %parallel_loop3A_50, %parallel_loop3A_74 : vector<16xf32>
      %parallel_loop3A_76 = arith.addf %parallel_loop3A_73, %parallel_loop3A_75 : vector<16xf32>
      %parallel_loop3A_77 = arith.constant 1 : i32
      %parallel_loop3A_78 = arith.index_cast %parallel_loop3A_77 : i32 to index
      %parallel_loop3A_79 = arith.index_cast %parallel_loop3A_32 : i32 to index
      %parallel_loop3A_80 = tpu.vector_load %arg10[%parallel_loop3A_78, %parallel_loop3A_79] {strides = array<i32>} : memref<5x512xi32, #tpu.memory_space<vmem>>, vector<16xi32>,
      %parallel_loop3A_81 = tpu.vector_load_idx %arg13[%broadcast_in_dim3A_25, %parallel_loop3A_80] : memref<2x31xf32, #tpu.memory_space<vmem>>[vector<16xi32>, vector<16xi32>], vector<16xf32>,
      %parallel_loop3A_82 = arith.mulf %parallel_loop3A_47, %parallel_loop3A_81 : vector<16xf32>
      %parallel_loop3A_83 = tpu.vector_load_idx %arg14[%broadcast_in_dim3A_25, %parallel_loop3A_80] : memref<2x31xf32, #tpu.memory_space<vmem>>[vector<16xi32>, vector<16xi32>], vector<16xf32>,
      %parallel_loop3A_84 = arith.mulf %parallel_loop3A_48, %parallel_loop3A_83 : vector<16xf32>
      %parallel_loop3A_85 = arith.addf %parallel_loop3A_82, %parallel_loop3A_84 : vector<16xf32>
      %parallel_loop3A_86 = tpu.vector_load_idx %arg15[%broadcast_in_dim3A_25, %parallel_loop3A_80] : memref<2x31xf32, #tpu.memory_space<vmem>>[vector<16xi32>, vector<16xi32>], vector<16xf32>,
      %parallel_loop3A_87 = arith.mulf %parallel_loop3A_49, %parallel_loop3A_86 : vector<16xf32>
      %parallel_loop3A_88 = arith.addf %parallel_loop3A_85, %parallel_loop3A_87 : vector<16xf32>
      %parallel_loop3A_89 = tpu.vector_load_idx %arg16[%broadcast_in_dim3A_25, %parallel_loop3A_80] : memref<2x31xf32, #tpu.memory_space<vmem>>[vector<16xi32>, vector<16xi32>], vector<16xf32>,
      %parallel_loop3A_90 = arith.mulf %parallel_loop3A_50, %parallel_loop3A_89 : vector<16xf32>
      %parallel_loop3A_91 = arith.addf %parallel_loop3A_88, %parallel_loop3A_90 : vector<16xf32>
      %parallel_loop3A_92 = tpu.vector_load_idx %arg13[%broadcast_in_dim3A_27, %parallel_loop3A_80] : memref<2x31xf32, #tpu.memory_space<vmem>>[vector<16xi32>, vector<16xi32>], vector<16xf32>,
      %parallel_loop3A_93 = arith.mulf %parallel_loop3A_47, %parallel_loop3A_92 : vector<16xf32>
      %parallel_loop3A_94 = tpu.vector_load_idx %arg14[%broadcast_in_dim3A_27, %parallel_loop3A_80] : memref<2x31xf32, #tpu.memory_space<vmem>>[vector<16xi32>, vector<16xi32>], vector<16xf32>,
      %parallel_loop3A_95 = arith.mulf %parallel_loop3A_48, %parallel_loop3A_94 : vector<16xf32>
      %parallel_loop3A_96 = arith.addf %parallel_loop3A_93, %parallel_loop3A_95 : vector<16xf32>
      %parallel_loop3A_97 = tpu.vector_load_idx %arg15[%broadcast_in_dim3A_27, %parallel_loop3A_80] : memref<2x31xf32, #tpu.memory_space<vmem>>[vector<16xi32>, vector<16xi32>], vector<16xf32>,
      %parallel_loop3A_98 = arith.mulf %parallel_loop3A_49, %parallel_loop3A_97 : vector<16xf32>
      %parallel_loop3A_99 = arith.addf %parallel_loop3A_96, %parallel_loop3A_98 : vector<16xf32>
      %parallel_loop3A_100 = tpu.vector_load_idx %arg16[%broadcast_in_dim3A_27, %parallel_loop3A_80] : memref<2x31xf32, #tpu.memory_space<vmem>>[vector<16xi32>, vector<16xi32>], vector<16xf32>,
      %parallel_loop3A_101 = arith.mulf %parallel_loop3A_50, %parallel_loop3A_100 : vector<16xf32>
      %parallel_loop3A_102 = arith.addf %parallel_loop3A_99, %parallel_loop3A_101 : vector<16xf32>
      %parallel_loop3A_103 = arith.constant 2 : i32
      %parallel_loop3A_104 = arith.index_cast %parallel_loop3A_103 : i32 to index
      %parallel_loop3A_105 = arith.index_cast %parallel_loop3A_32 : i32 to index
      %parallel_loop3A_106 = tpu.vector_load %arg10[%parallel_loop3A_104, %parallel_loop3A_105] {strides = array<i32>} : memref<5x512xi32, #tpu.memory_space<vmem>>, vector<16xi32>,
      %parallel_loop3A_107 = tpu.vector_load_idx %arg13[%broadcast_in_dim3A_25, %parallel_loop3A_106] : memref<2x31xf32, #tpu.memory_space<vmem>>[vector<16xi32>, vector<16xi32>], vector<16xf32>,
      %parallel_loop3A_108 = arith.mulf %parallel_loop3A_47, %parallel_loop3A_107 : vector<16xf32>
      %parallel_loop3A_109 = tpu.vector_load_idx %arg14[%broadcast_in_dim3A_25, %parallel_loop3A_106] : memref<2x31xf32, #tpu.memory_space<vmem>>[vector<16xi32>, vector<16xi32>], vector<16xf32>,
      %parallel_loop3A_110 = arith.mulf %parallel_loop3A_48, %parallel_loop3A_109 : vector<16xf32>
      %parallel_loop3A_111 = arith.addf %parallel_loop3A_108, %parallel_loop3A_110 : vector<16xf32>
      %parallel_loop3A_112 = tpu.vector_load_idx %arg15[%broadcast_in_dim3A_25, %parallel_loop3A_106] : memref<2x31xf32, #tpu.memory_space<vmem>>[vector<16xi32>, vector<16xi32>], vector<16xf32>,
      %parallel_loop3A_113 = arith.mulf %parallel_loop3A_49, %parallel_loop3A_112 : vector<16xf32>
      %parallel_loop3A_114 = arith.addf %parallel_loop3A_111, %parallel_loop3A_113 : vector<16xf32>
      %parallel_loop3A_115 = tpu.vector_load_idx %arg16[%broadcast_in_dim3A_25, %parallel_loop3A_106] : memref<2x31xf32, #tpu.memory_space<vmem>>[vector<16xi32>, vector<16xi32>], vector<16xf32>,
      %parallel_loop3A_116 = arith.mulf %parallel_loop3A_50, %parallel_loop3A_115 : vector<16xf32>
      %parallel_loop3A_117 = arith.addf %parallel_loop3A_114, %parallel_loop3A_116 : vector<16xf32>
      %parallel_loop3A_118 = tpu.vector_load_idx %arg13[%broadcast_in_dim3A_27, %parallel_loop3A_106] : memref<2x31xf32, #tpu.memory_space<vmem>>[vector<16xi32>, vector<16xi32>], vector<16xf32>,
      %parallel_loop3A_119 = arith.mulf %parallel_loop3A_47, %parallel_loop3A_118 : vector<16xf32>
      %parallel_loop3A_120 = tpu.vector_load_idx %arg14[%broadcast_in_dim3A_27, %parallel_loop3A_106] : memref<2x31xf32, #tpu.memory_space<vmem>>[vector<16xi32>, vector<16xi32>], vector<16xf32>,
      %parallel_loop3A_121 = arith.mulf %parallel_loop3A_48, %parallel_loop3A_120 : vector<16xf32>
      %parallel_loop3A_122 = arith.addf %parallel_loop3A_119, %parallel_loop3A_121 : vector<16xf32>
      %parallel_loop3A_123 = tpu.vector_load_idx %arg15[%broadcast_in_dim3A_27, %parallel_loop3A_106] : memref<2x31xf32, #tpu.memory_space<vmem>>[vector<16xi32>, vector<16xi32>], vector<16xf32>,
      %parallel_loop3A_124 = arith.mulf %parallel_loop3A_49, %parallel_loop3A_123 : vector<16xf32>
      %parallel_loop3A_125 = arith.addf %parallel_loop3A_122, %parallel_loop3A_124 : vector<16xf32>
      %parallel_loop3A_126 = tpu.vector_load_idx %arg16[%broadcast_in_dim3A_27, %parallel_loop3A_106] : memref<2x31xf32, #tpu.memory_space<vmem>>[vector<16xi32>, vector<16xi32>], vector<16xf32>,
      %parallel_loop3A_127 = arith.mulf %parallel_loop3A_50, %parallel_loop3A_126 : vector<16xf32>
      %parallel_loop3A_128 = arith.addf %parallel_loop3A_125, %parallel_loop3A_127 : vector<16xf32>
      %parallel_loop3A_129 = arith.constant 3 : i32
      %parallel_loop3A_130 = arith.index_cast %parallel_loop3A_129 : i32 to index
      %parallel_loop3A_131 = arith.index_cast %parallel_loop3A_32 : i32 to index
      %parallel_loop3A_132 = tpu.vector_load %arg10[%parallel_loop3A_130, %parallel_loop3A_131] {strides = array<i32>} : memref<5x512xi32, #tpu.memory_space<vmem>>, vector<16xi32>,
      %parallel_loop3A_133 = tpu.vector_load_idx %arg13[%broadcast_in_dim3A_25, %parallel_loop3A_132] : memref<2x31xf32, #tpu.memory_space<vmem>>[vector<16xi32>, vector<16xi32>], vector<16xf32>,
      %parallel_loop3A_134 = arith.mulf %parallel_loop3A_47, %parallel_loop3A_133 : vector<16xf32>
      %parallel_loop3A_135 = tpu.vector_load_idx %arg14[%broadcast_in_dim3A_25, %parallel_loop3A_132] : memref<2x31xf32, #tpu.memory_space<vmem>>[vector<16xi32>, vector<16xi32>], vector<16xf32>,
      %parallel_loop3A_136 = arith.mulf %parallel_loop3A_48, %parallel_loop3A_135 : vector<16xf32>
      %parallel_loop3A_137 = arith.addf %parallel_loop3A_134, %parallel_loop3A_136 : vector<16xf32>
      %parallel_loop3A_138 = tpu.vector_load_idx %arg15[%broadcast_in_dim3A_25, %parallel_loop3A_132] : memref<2x31xf32, #tpu.memory_space<vmem>>[vector<16xi32>, vector<16xi32>], vector<16xf32>,
      %parallel_loop3A_139 = arith.mulf %parallel_loop3A_49, %parallel_loop3A_138 : vector<16xf32>
      %parallel_loop3A_140 = arith.addf %parallel_loop3A_137, %parallel_loop3A_139 : vector<16xf32>
      %parallel_loop3A_141 = tpu.vector_load_idx %arg16[%broadcast_in_dim3A_25, %parallel_loop3A_132] : memref<2x31xf32, #tpu.memory_space<vmem>>[vector<16xi32>, vector<16xi32>], vector<16xf32>,
      %parallel_loop3A_142 = arith.mulf %parallel_loop3A_50, %parallel_loop3A_141 : vector<16xf32>
      %parallel_loop3A_143 = arith.addf %parallel_loop3A_140, %parallel_loop3A_142 : vector<16xf32>
      %parallel_loop3A_144 = tpu.vector_load_idx %arg13[%broadcast_in_dim3A_27, %parallel_loop3A_132] : memref<2x31xf32, #tpu.memory_space<vmem>>[vector<16xi32>, vector<16xi32>], vector<16xf32>,
      %parallel_loop3A_145 = arith.mulf %parallel_loop3A_47, %parallel_loop3A_144 : vector<16xf32>
      %parallel_loop3A_146 = tpu.vector_load_idx %arg14[%broadcast_in_dim3A_27, %parallel_loop3A_132] : memref<2x31xf32, #tpu.memory_space<vmem>>[vector<16xi32>, vector<16xi32>], vector<16xf32>,
      %parallel_loop3A_147 = arith.mulf %parallel_loop3A_48, %parallel_loop3A_146 : vector<16xf32>
      %parallel_loop3A_148 = arith.addf %parallel_loop3A_145, %parallel_loop3A_147 : vector<16xf32>
      %parallel_loop3A_149 = tpu.vector_load_idx %arg15[%broadcast_in_dim3A_27, %parallel_loop3A_132] : memref<2x31xf32, #tpu.memory_space<vmem>>[vector<16xi32>, vector<16xi32>], vector<16xf32>,
      %parallel_loop3A_150 = arith.mulf %parallel_loop3A_49, %parallel_loop3A_149 : vector<16xf32>
      %parallel_loop3A_151 = arith.addf %parallel_loop3A_148, %parallel_loop3A_150 : vector<16xf32>
      %parallel_loop3A_152 = tpu.vector_load_idx %arg16[%broadcast_in_dim3A_27, %parallel_loop3A_132] : memref<2x31xf32, #tpu.memory_space<vmem>>[vector<16xi32>, vector<16xi32>], vector<16xf32>,
      %parallel_loop3A_153 = arith.mulf %parallel_loop3A_50, %parallel_loop3A_152 : vector<16xf32>
      %parallel_loop3A_154 = arith.addf %parallel_loop3A_151, %parallel_loop3A_153 : vector<16xf32>
      %parallel_loop3A_155 = arith.constant 4 : i32
      %parallel_loop3A_156 = arith.index_cast %parallel_loop3A_155 : i32 to index
      %parallel_loop3A_157 = arith.index_cast %parallel_loop3A_32 : i32 to index
      %parallel_loop3A_158 = tpu.vector_load %arg10[%parallel_loop3A_156, %parallel_loop3A_157] {strides = array<i32>} : memref<5x512xi32, #tpu.memory_space<vmem>>, vector<16xi32>,
      %parallel_loop3A_159 = tpu.vector_load_idx %arg13[%broadcast_in_dim3A_25, %parallel_loop3A_158] : memref<2x31xf32, #tpu.memory_space<vmem>>[vector<16xi32>, vector<16xi32>], vector<16xf32>,
      %parallel_loop3A_160 = arith.mulf %parallel_loop3A_47, %parallel_loop3A_159 : vector<16xf32>
      %parallel_loop3A_161 = tpu.vector_load_idx %arg14[%broadcast_in_dim3A_25, %parallel_loop3A_158] : memref<2x31xf32, #tpu.memory_space<vmem>>[vector<16xi32>, vector<16xi32>], vector<16xf32>,
      %parallel_loop3A_162 = arith.mulf %parallel_loop3A_48, %parallel_loop3A_161 : vector<16xf32>
      %parallel_loop3A_163 = arith.addf %parallel_loop3A_160, %parallel_loop3A_162 : vector<16xf32>
      %parallel_loop3A_164 = tpu.vector_load_idx %arg15[%broadcast_in_dim3A_25, %parallel_loop3A_158] : memref<2x31xf32, #tpu.memory_space<vmem>>[vector<16xi32>, vector<16xi32>], vector<16xf32>,
      %parallel_loop3A_165 = arith.mulf %parallel_loop3A_49, %parallel_loop3A_164 : vector<16xf32>
      %parallel_loop3A_166 = arith.addf %parallel_loop3A_163, %parallel_loop3A_165 : vector<16xf32>
      %parallel_loop3A_167 = tpu.vector_load_idx %arg16[%broadcast_in_dim3A_25, %parallel_loop3A_158] : memref<2x31xf32, #tpu.memory_space<vmem>>[vector<16xi32>, vector<16xi32>], vector<16xf32>,
      %parallel_loop3A_168 = arith.mulf %parallel_loop3A_50, %parallel_loop3A_167 : vector<16xf32>
      %parallel_loop3A_169 = arith.addf %parallel_loop3A_166, %parallel_loop3A_168 : vector<16xf32>
      %parallel_loop3A_170 = tpu.vector_load_idx %arg13[%broadcast_in_dim3A_27, %parallel_loop3A_158] : memref<2x31xf32, #tpu.memory_space<vmem>>[vector<16xi32>, vector<16xi32>], vector<16xf32>,
      %parallel_loop3A_171 = arith.mulf %parallel_loop3A_47, %parallel_loop3A_170 : vector<16xf32>
      %parallel_loop3A_172 = tpu.vector_load_idx %arg14[%broadcast_in_dim3A_27, %parallel_loop3A_158] : memref<2x31xf32, #tpu.memory_space<vmem>>[vector<16xi32>, vector<16xi32>], vector<16xf32>,
      %parallel_loop3A_173 = arith.mulf %parallel_loop3A_48, %parallel_loop3A_172 : vector<16xf32>
      %parallel_loop3A_174 = arith.addf %parallel_loop3A_171, %parallel_loop3A_173 : vector<16xf32>
      %parallel_loop3A_175 = tpu.vector_load_idx %arg15[%broadcast_in_dim3A_27, %parallel_loop3A_158] : memref<2x31xf32, #tpu.memory_space<vmem>>[vector<16xi32>, vector<16xi32>], vector<16xf32>,
      %parallel_loop3A_176 = arith.mulf %parallel_loop3A_49, %parallel_loop3A_175 : vector<16xf32>
      %parallel_loop3A_177 = arith.addf %parallel_loop3A_174, %parallel_loop3A_176 : vector<16xf32>
      %parallel_loop3A_178 = tpu.vector_load_idx %arg16[%broadcast_in_dim3A_27, %parallel_loop3A_158] : memref<2x31xf32, #tpu.memory_space<vmem>>[vector<16xi32>, vector<16xi32>], vector<16xf32>,
      %parallel_loop3A_179 = arith.mulf %parallel_loop3A_50, %parallel_loop3A_178 : vector<16xf32>
      %parallel_loop3A_180 = arith.addf %parallel_loop3A_177, %parallel_loop3A_179 : vector<16xf32>
      %parallel_loop3A_181 = arith.subf %parallel_loop3A_65, %parallel_loop3A_91 : vector<16xf32>
      %parallel_loop3A_182 = arith.subf %parallel_loop3A_76, %parallel_loop3A_102 : vector<16xf32>
      %parallel_loop3A_183 = arith.constant 1.200000e+00 : f32
      %parallel_loop3A_184 = vector.broadcast %parallel_loop3A_183 : f32 to vector<16xf32>
      %parallel_loop3A_185 = arith.mulf %parallel_loop3A_184, %parallel_loop3A_181 : vector<16xf32>
      %parallel_loop3A_186 = arith.mulf %parallel_loop3A_185, %parallel_loop3A_181 : vector<16xf32>
      %parallel_loop3A_187 = arith.constant 8.000000e-01 : f32
      %parallel_loop3A_188 = vector.broadcast %parallel_loop3A_187 : f32 to vector<16xf32>
      %parallel_loop3A_189 = arith.mulf %parallel_loop3A_188, %parallel_loop3A_182 : vector<16xf32>
      %parallel_loop3A_190 = arith.mulf %parallel_loop3A_189, %parallel_loop3A_182 : vector<16xf32>
      %parallel_loop3A_191 = arith.addf %parallel_loop3A_186, %parallel_loop3A_190 : vector<16xf32>
      %parallel_loop3A_192 = arith.constant 1.000000e-30 : f32
      %parallel_loop3A_193 = vector.broadcast %parallel_loop3A_192 : f32 to vector<16xf32>
      %parallel_loop3A_194 = arith.maximumf %parallel_loop3A_191, %parallel_loop3A_193 : vector<16xf32>
      %parallel_loop3A_195 = tpu.bitcast %parallel_loop3A_194 : vector<16xf32> -> vector<16xi32>
      %parallel_loop3A_196 = arith.constant 1 : i32
      %parallel_loop3A_197 = vector.broadcast %parallel_loop3A_196 : i32 to vector<16xi32>
      %parallel_loop3A_198 = arith.shrsi %parallel_loop3A_195, %parallel_loop3A_197 : vector<16xi32>
      %parallel_loop3A_199 = arith.constant 1597463007 : i32
      %parallel_loop3A_200 = vector.broadcast %parallel_loop3A_199 : i32 to vector<16xi32>
      %parallel_loop3A_201 = arith.subi %parallel_loop3A_200, %parallel_loop3A_198 : vector<16xi32>
      %parallel_loop3A_202 = tpu.bitcast %parallel_loop3A_201 : vector<16xi32> -> vector<16xf32>
      %parallel_loop3A_203 = arith.constant 5.000000e-01 : f32
      %parallel_loop3A_204 = vector.broadcast %parallel_loop3A_203 : f32 to vector<16xf32>
      %parallel_loop3A_205 = arith.mulf %parallel_loop3A_204, %parallel_loop3A_194 : vector<16xf32>
      %parallel_loop3A_206 = arith.mulf %parallel_loop3A_205, %parallel_loop3A_202 : vector<16xf32>
      %parallel_loop3A_207 = arith.mulf %parallel_loop3A_206, %parallel_loop3A_202 : vector<16xf32>
      %parallel_loop3A_208 = arith.constant 1.500000e+00 : f32
      %parallel_loop3A_209 = vector.broadcast %parallel_loop3A_208 : f32 to vector<16xf32>
      %parallel_loop3A_210 = arith.subf %parallel_loop3A_209, %parallel_loop3A_207 : vector<16xf32>
      %parallel_loop3A_211 = arith.mulf %parallel_loop3A_202, %parallel_loop3A_210 : vector<16xf32>
      %parallel_loop3A_212 = arith.mulf %parallel_loop3A_205, %parallel_loop3A_211 : vector<16xf32>
      %parallel_loop3A_213 = arith.mulf %parallel_loop3A_212, %parallel_loop3A_211 : vector<16xf32>
      %parallel_loop3A_214 = arith.constant 1.500000e+00 : f32
      %parallel_loop3A_215 = vector.broadcast %parallel_loop3A_214 : f32 to vector<16xf32>
      %parallel_loop3A_216 = arith.subf %parallel_loop3A_215, %parallel_loop3A_213 : vector<16xf32>
      %parallel_loop3A_217 = arith.mulf %parallel_loop3A_211, %parallel_loop3A_216 : vector<16xf32>
      %parallel_loop3A_218 = arith.mulf %parallel_loop3A_205, %parallel_loop3A_217 : vector<16xf32>
      %parallel_loop3A_219 = arith.mulf %parallel_loop3A_218, %parallel_loop3A_217 : vector<16xf32>
      %parallel_loop3A_220 = arith.constant 1.500000e+00 : f32
      %parallel_loop3A_221 = vector.broadcast %parallel_loop3A_220 : f32 to vector<16xf32>
      %parallel_loop3A_222 = arith.subf %parallel_loop3A_221, %parallel_loop3A_219 : vector<16xf32>
      %parallel_loop3A_223 = arith.mulf %parallel_loop3A_217, %parallel_loop3A_222 : vector<16xf32>
      %parallel_loop3A_224 = arith.mulf %parallel_loop3A_194, %parallel_loop3A_223 : vector<16xf32>
      %parallel_loop3A_225 = arith.constant -1.000000e+01 : f32
      %parallel_loop3A_226 = vector.broadcast %parallel_loop3A_225 : f32 to vector<16xf32>
      %parallel_loop3A_227 = arith.mulf %parallel_loop3A_226, %parallel_loop3A_224 : vector<16xf32>
      %parallel_loop3A_228 = math.exp %parallel_loop3A_227 : vector<16xf32>
      %parallel_loop3A_229 = arith.subf %parallel_loop3A_65, %parallel_loop3A_117 : vector<16xf32>
      %parallel_loop3A_230 = arith.subf %parallel_loop3A_76, %parallel_loop3A_128 : vector<16xf32>
      %parallel_loop3A_231 = arith.constant 1.200000e+00 : f32
      %parallel_loop3A_232 = vector.broadcast %parallel_loop3A_231 : f32 to vector<16xf32>
      %parallel_loop3A_233 = arith.mulf %parallel_loop3A_232, %parallel_loop3A_229 : vector<16xf32>
      %parallel_loop3A_234 = arith.mulf %parallel_loop3A_233, %parallel_loop3A_229 : vector<16xf32>
      %parallel_loop3A_235 = arith.constant 8.000000e-01 : f32
      %parallel_loop3A_236 = vector.broadcast %parallel_loop3A_235 : f32 to vector<16xf32>
      %parallel_loop3A_237 = arith.mulf %parallel_loop3A_236, %parallel_loop3A_230 : vector<16xf32>
      %parallel_loop3A_238 = arith.mulf %parallel_loop3A_237, %parallel_loop3A_230 : vector<16xf32>
      %parallel_loop3A_239 = arith.addf %parallel_loop3A_234, %parallel_loop3A_238 : vector<16xf32>
      %parallel_loop3A_240 = arith.constant 1.000000e-30 : f32
      %parallel_loop3A_241 = vector.broadcast %parallel_loop3A_240 : f32 to vector<16xf32>
      %parallel_loop3A_242 = arith.maximumf %parallel_loop3A_239, %parallel_loop3A_241 : vector<16xf32>
      %parallel_loop3A_243 = tpu.bitcast %parallel_loop3A_242 : vector<16xf32> -> vector<16xi32>
      %parallel_loop3A_244 = arith.constant 1 : i32
      %parallel_loop3A_245 = vector.broadcast %parallel_loop3A_244 : i32 to vector<16xi32>
      %parallel_loop3A_246 = arith.shrsi %parallel_loop3A_243, %parallel_loop3A_245 : vector<16xi32>
      %parallel_loop3A_247 = arith.constant 1597463007 : i32
      %parallel_loop3A_248 = vector.broadcast %parallel_loop3A_247 : i32 to vector<16xi32>
      %parallel_loop3A_249 = arith.subi %parallel_loop3A_248, %parallel_loop3A_246 : vector<16xi32>
      %parallel_loop3A_250 = tpu.bitcast %parallel_loop3A_249 : vector<16xi32> -> vector<16xf32>
      %parallel_loop3A_251 = arith.constant 5.000000e-01 : f32
      %parallel_loop3A_252 = vector.broadcast %parallel_loop3A_251 : f32 to vector<16xf32>
      %parallel_loop3A_253 = arith.mulf %parallel_loop3A_252, %parallel_loop3A_242 : vector<16xf32>
      %parallel_loop3A_254 = arith.mulf %parallel_loop3A_253, %parallel_loop3A_250 : vector<16xf32>
      %parallel_loop3A_255 = arith.mulf %parallel_loop3A_254, %parallel_loop3A_250 : vector<16xf32>
      %parallel_loop3A_256 = arith.constant 1.500000e+00 : f32
      %parallel_loop3A_257 = vector.broadcast %parallel_loop3A_256 : f32 to vector<16xf32>
      %parallel_loop3A_258 = arith.subf %parallel_loop3A_257, %parallel_loop3A_255 : vector<16xf32>
      %parallel_loop3A_259 = arith.mulf %parallel_loop3A_250, %parallel_loop3A_258 : vector<16xf32>
      %parallel_loop3A_260 = arith.mulf %parallel_loop3A_253, %parallel_loop3A_259 : vector<16xf32>
      %parallel_loop3A_261 = arith.mulf %parallel_loop3A_260, %parallel_loop3A_259 : vector<16xf32>
      %parallel_loop3A_262 = arith.constant 1.500000e+00 : f32
      %parallel_loop3A_263 = vector.broadcast %parallel_loop3A_262 : f32 to vector<16xf32>
      %parallel_loop3A_264 = arith.subf %parallel_loop3A_263, %parallel_loop3A_261 : vector<16xf32>
      %parallel_loop3A_265 = arith.mulf %parallel_loop3A_259, %parallel_loop3A_264 : vector<16xf32>
      %parallel_loop3A_266 = arith.mulf %parallel_loop3A_253, %parallel_loop3A_265 : vector<16xf32>
      %parallel_loop3A_267 = arith.mulf %parallel_loop3A_266, %parallel_loop3A_265 : vector<16xf32>
      %parallel_loop3A_268 = arith.constant 1.500000e+00 : f32
      %parallel_loop3A_269 = vector.broadcast %parallel_loop3A_268 : f32 to vector<16xf32>
      %parallel_loop3A_270 = arith.subf %parallel_loop3A_269, %parallel_loop3A_267 : vector<16xf32>
      %parallel_loop3A_271 = arith.mulf %parallel_loop3A_265, %parallel_loop3A_270 : vector<16xf32>
      %parallel_loop3A_272 = arith.mulf %parallel_loop3A_242, %parallel_loop3A_271 : vector<16xf32>
      %parallel_loop3A_273 = arith.constant -1.000000e+01 : f32
      %parallel_loop3A_274 = vector.broadcast %parallel_loop3A_273 : f32 to vector<16xf32>
      %parallel_loop3A_275 = arith.mulf %parallel_loop3A_274, %parallel_loop3A_272 : vector<16xf32>
      %parallel_loop3A_276 = math.exp %parallel_loop3A_275 : vector<16xf32>
      %parallel_loop3A_277 = arith.subf %parallel_loop3A_65, %parallel_loop3A_143 : vector<16xf32>
      %parallel_loop3A_278 = arith.subf %parallel_loop3A_76, %parallel_loop3A_154 : vector<16xf32>
      %parallel_loop3A_279 = arith.constant 1.200000e+00 : f32
      %parallel_loop3A_280 = vector.broadcast %parallel_loop3A_279 : f32 to vector<16xf32>
      %parallel_loop3A_281 = arith.mulf %parallel_loop3A_280, %parallel_loop3A_277 : vector<16xf32>
      %parallel_loop3A_282 = arith.mulf %parallel_loop3A_281, %parallel_loop3A_277 : vector<16xf32>
      %parallel_loop3A_283 = arith.constant 8.000000e-01 : f32
      %parallel_loop3A_284 = vector.broadcast %parallel_loop3A_283 : f32 to vector<16xf32>
      %parallel_loop3A_285 = arith.mulf %parallel_loop3A_284, %parallel_loop3A_278 : vector<16xf32>
      %parallel_loop3A_286 = arith.mulf %parallel_loop3A_285, %parallel_loop3A_278 : vector<16xf32>
      %parallel_loop3A_287 = arith.addf %parallel_loop3A_282, %parallel_loop3A_286 : vector<16xf32>
      %parallel_loop3A_288 = arith.constant 1.000000e-30 : f32
      %parallel_loop3A_289 = vector.broadcast %parallel_loop3A_288 : f32 to vector<16xf32>
      %parallel_loop3A_290 = arith.maximumf %parallel_loop3A_287, %parallel_loop3A_289 : vector<16xf32>
      %parallel_loop3A_291 = tpu.bitcast %parallel_loop3A_290 : vector<16xf32> -> vector<16xi32>
      %parallel_loop3A_292 = arith.constant 1 : i32
      %parallel_loop3A_293 = vector.broadcast %parallel_loop3A_292 : i32 to vector<16xi32>
      %parallel_loop3A_294 = arith.shrsi %parallel_loop3A_291, %parallel_loop3A_293 : vector<16xi32>
      %parallel_loop3A_295 = arith.constant 1597463007 : i32
      %parallel_loop3A_296 = vector.broadcast %parallel_loop3A_295 : i32 to vector<16xi32>
      %parallel_loop3A_297 = arith.subi %parallel_loop3A_296, %parallel_loop3A_294 : vector<16xi32>
      %parallel_loop3A_298 = tpu.bitcast %parallel_loop3A_297 : vector<16xi32> -> vector<16xf32>
      %parallel_loop3A_299 = arith.constant 5.000000e-01 : f32
      %parallel_loop3A_300 = vector.broadcast %parallel_loop3A_299 : f32 to vector<16xf32>
      %parallel_loop3A_301 = arith.mulf %parallel_loop3A_300, %parallel_loop3A_290 : vector<16xf32>
      %parallel_loop3A_302 = arith.mulf %parallel_loop3A_301, %parallel_loop3A_298 : vector<16xf32>
      %parallel_loop3A_303 = arith.mulf %parallel_loop3A_302, %parallel_loop3A_298 : vector<16xf32>
      %parallel_loop3A_304 = arith.constant 1.500000e+00 : f32
      %parallel_loop3A_305 = vector.broadcast %parallel_loop3A_304 : f32 to vector<16xf32>
      %parallel_loop3A_306 = arith.subf %parallel_loop3A_305, %parallel_loop3A_303 : vector<16xf32>
      %parallel_loop3A_307 = arith.mulf %parallel_loop3A_298, %parallel_loop3A_306 : vector<16xf32>
      %parallel_loop3A_308 = arith.mulf %parallel_loop3A_301, %parallel_loop3A_307 : vector<16xf32>
      %parallel_loop3A_309 = arith.mulf %parallel_loop3A_308, %parallel_loop3A_307 : vector<16xf32>
      %parallel_loop3A_310 = arith.constant 1.500000e+00 : f32
      %parallel_loop3A_311 = vector.broadcast %parallel_loop3A_310 : f32 to vector<16xf32>
      %parallel_loop3A_312 = arith.subf %parallel_loop3A_311, %parallel_loop3A_309 : vector<16xf32>
      %parallel_loop3A_313 = arith.mulf %parallel_loop3A_307, %parallel_loop3A_312 : vector<16xf32>
      %parallel_loop3A_314 = arith.mulf %parallel_loop3A_301, %parallel_loop3A_313 : vector<16xf32>
      %parallel_loop3A_315 = arith.mulf %parallel_loop3A_314, %parallel_loop3A_313 : vector<16xf32>
      %parallel_loop3A_316 = arith.constant 1.500000e+00 : f32
      %parallel_loop3A_317 = vector.broadcast %parallel_loop3A_316 : f32 to vector<16xf32>
      %parallel_loop3A_318 = arith.subf %parallel_loop3A_317, %parallel_loop3A_315 : vector<16xf32>
      %parallel_loop3A_319 = arith.mulf %parallel_loop3A_313, %parallel_loop3A_318 : vector<16xf32>
      %parallel_loop3A_320 = arith.mulf %parallel_loop3A_290, %parallel_loop3A_319 : vector<16xf32>
      %parallel_loop3A_321 = arith.constant -1.000000e+01 : f32
      %parallel_loop3A_322 = vector.broadcast %parallel_loop3A_321 : f32 to vector<16xf32>
      %parallel_loop3A_323 = arith.mulf %parallel_loop3A_322, %parallel_loop3A_320 : vector<16xf32>
      %parallel_loop3A_324 = math.exp %parallel_loop3A_323 : vector<16xf32>
      %parallel_loop3A_325 = arith.subf %parallel_loop3A_65, %parallel_loop3A_169 : vector<16xf32>
      %parallel_loop3A_326 = arith.subf %parallel_loop3A_76, %parallel_loop3A_180 : vector<16xf32>
      %parallel_loop3A_327 = arith.constant 1.200000e+00 : f32
      %parallel_loop3A_328 = vector.broadcast %parallel_loop3A_327 : f32 to vector<16xf32>
      %parallel_loop3A_329 = arith.mulf %parallel_loop3A_328, %parallel_loop3A_325 : vector<16xf32>
      %parallel_loop3A_330 = arith.mulf %parallel_loop3A_329, %parallel_loop3A_325 : vector<16xf32>
      %parallel_loop3A_331 = arith.constant 8.000000e-01 : f32
      %parallel_loop3A_332 = vector.broadcast %parallel_loop3A_331 : f32 to vector<16xf32>
      %parallel_loop3A_333 = arith.mulf %parallel_loop3A_332, %parallel_loop3A_326 : vector<16xf32>
      %parallel_loop3A_334 = arith.mulf %parallel_loop3A_333, %parallel_loop3A_326 : vector<16xf32>
      %parallel_loop3A_335 = arith.addf %parallel_loop3A_330, %parallel_loop3A_334 : vector<16xf32>
      %parallel_loop3A_336 = arith.constant 1.000000e-30 : f32
      %parallel_loop3A_337 = vector.broadcast %parallel_loop3A_336 : f32 to vector<16xf32>
      %parallel_loop3A_338 = arith.maximumf %parallel_loop3A_335, %parallel_loop3A_337 : vector<16xf32>
      %parallel_loop3A_339 = tpu.bitcast %parallel_loop3A_338 : vector<16xf32> -> vector<16xi32>
      %parallel_loop3A_340 = arith.constant 1 : i32
      %parallel_loop3A_341 = vector.broadcast %parallel_loop3A_340 : i32 to vector<16xi32>
      %parallel_loop3A_342 = arith.shrsi %parallel_loop3A_339, %parallel_loop3A_341 : vector<16xi32>
      %parallel_loop3A_343 = arith.constant 1597463007 : i32
      %parallel_loop3A_344 = vector.broadcast %parallel_loop3A_343 : i32 to vector<16xi32>
      %parallel_loop3A_345 = arith.subi %parallel_loop3A_344, %parallel_loop3A_342 : vector<16xi32>
      %parallel_loop3A_346 = tpu.bitcast %parallel_loop3A_345 : vector<16xi32> -> vector<16xf32>
      %parallel_loop3A_347 = arith.constant 5.000000e-01 : f32
      %parallel_loop3A_348 = vector.broadcast %parallel_loop3A_347 : f32 to vector<16xf32>
      %parallel_loop3A_349 = arith.mulf %parallel_loop3A_348, %parallel_loop3A_338 : vector<16xf32>
      %parallel_loop3A_350 = arith.mulf %parallel_loop3A_349, %parallel_loop3A_346 : vector<16xf32>
      %parallel_loop3A_351 = arith.mulf %parallel_loop3A_350, %parallel_loop3A_346 : vector<16xf32>
      %parallel_loop3A_352 = arith.constant 1.500000e+00 : f32
      %parallel_loop3A_353 = vector.broadcast %parallel_loop3A_352 : f32 to vector<16xf32>
      %parallel_loop3A_354 = arith.subf %parallel_loop3A_353, %parallel_loop3A_351 : vector<16xf32>
      %parallel_loop3A_355 = arith.mulf %parallel_loop3A_346, %parallel_loop3A_354 : vector<16xf32>
      %parallel_loop3A_356 = arith.mulf %parallel_loop3A_349, %parallel_loop3A_355 : vector<16xf32>
      %parallel_loop3A_357 = arith.mulf %parallel_loop3A_356, %parallel_loop3A_355 : vector<16xf32>
      %parallel_loop3A_358 = arith.constant 1.500000e+00 : f32
      %parallel_loop3A_359 = vector.broadcast %parallel_loop3A_358 : f32 to vector<16xf32>
      %parallel_loop3A_360 = arith.subf %parallel_loop3A_359, %parallel_loop3A_357 : vector<16xf32>
      %parallel_loop3A_361 = arith.mulf %parallel_loop3A_355, %parallel_loop3A_360 : vector<16xf32>
      %parallel_loop3A_362 = arith.mulf %parallel_loop3A_349, %parallel_loop3A_361 : vector<16xf32>
      %parallel_loop3A_363 = arith.mulf %parallel_loop3A_362, %parallel_loop3A_361 : vector<16xf32>
      %parallel_loop3A_364 = arith.constant 1.500000e+00 : f32
      %parallel_loop3A_365 = vector.broadcast %parallel_loop3A_364 : f32 to vector<16xf32>
      %parallel_loop3A_366 = arith.subf %parallel_loop3A_365, %parallel_loop3A_363 : vector<16xf32>
      %parallel_loop3A_367 = arith.mulf %parallel_loop3A_361, %parallel_loop3A_366 : vector<16xf32>
      %parallel_loop3A_368 = arith.mulf %parallel_loop3A_338, %parallel_loop3A_367 : vector<16xf32>
      %parallel_loop3A_369 = arith.constant -1.000000e+01 : f32
      %parallel_loop3A_370 = vector.broadcast %parallel_loop3A_369 : f32 to vector<16xf32>
      %parallel_loop3A_371 = arith.mulf %parallel_loop3A_370, %parallel_loop3A_368 : vector<16xf32>
      %parallel_loop3A_372 = math.exp %parallel_loop3A_371 : vector<16xf32>
      %parallel_loop3A_373 = arith.addf %parallel_loop3A_228, %parallel_loop3A_276 : vector<16xf32>
      %parallel_loop3A_374 = arith.addf %parallel_loop3A_373, %parallel_loop3A_324 : vector<16xf32>
      %parallel_loop3A_375 = arith.addf %parallel_loop3A_374, %parallel_loop3A_372 : vector<16xf32>
      %parallel_loop3A_376 = arith.constant 1.000000e+00 : f32
      %parallel_loop3A_377 = vector.broadcast %parallel_loop3A_376 : f32 to vector<16xf32>
      %parallel_loop3A_378 = arith.divf %parallel_loop3A_377, %parallel_loop3A_375 : vector<16xf32>
      %parallel_loop3A_379 = arith.mulf %parallel_loop3A_228, %parallel_loop3A_378 : vector<16xf32>
      %parallel_loop3A_380 = arith.constant 0 : i32
      %parallel_loop3A_381 = arith.index_cast %parallel_loop3A_380 : i32 to index
      %parallel_loop3A_382 = arith.index_cast %parallel_loop3A_32 : i32 to index
      %parallel_loop3A_383 = tpu.vector_load %arg17[%parallel_loop3A_381, %parallel_loop3A_382] {strides = array<i32>} : memref<4x512xf32, #tpu.memory_space<vmem>>, vector<16xf32>,
      tpu.vector_store %arg17[%parallel_loop3A_381, %parallel_loop3A_382], %parallel_loop3A_379 {strides = array<i32>} : memref<4x512xf32, #tpu.memory_space<vmem>>, vector<16xf32>,
      %parallel_loop3A_384 = arith.mulf %parallel_loop3A_276, %parallel_loop3A_378 : vector<16xf32>
      %parallel_loop3A_385 = arith.constant 1 : i32
      %parallel_loop3A_386 = arith.index_cast %parallel_loop3A_385 : i32 to index
      %parallel_loop3A_387 = arith.index_cast %parallel_loop3A_32 : i32 to index
      %parallel_loop3A_388 = tpu.vector_load %arg17[%parallel_loop3A_386, %parallel_loop3A_387] {strides = array<i32>} : memref<4x512xf32, #tpu.memory_space<vmem>>, vector<16xf32>,
      tpu.vector_store %arg17[%parallel_loop3A_386, %parallel_loop3A_387], %parallel_loop3A_384 {strides = array<i32>} : memref<4x512xf32, #tpu.memory_space<vmem>>, vector<16xf32>,
      %parallel_loop3A_389 = arith.mulf %parallel_loop3A_324, %parallel_loop3A_378 : vector<16xf32>
      %parallel_loop3A_390 = arith.constant 2 : i32
      %parallel_loop3A_391 = arith.index_cast %parallel_loop3A_390 : i32 to index
      %parallel_loop3A_392 = arith.index_cast %parallel_loop3A_32 : i32 to index
      %parallel_loop3A_393 = tpu.vector_load %arg17[%parallel_loop3A_391, %parallel_loop3A_392] {strides = array<i32>} : memref<4x512xf32, #tpu.memory_space<vmem>>, vector<16xf32>,
      tpu.vector_store %arg17[%parallel_loop3A_391, %parallel_loop3A_392], %parallel_loop3A_389 {strides = array<i32>} : memref<4x512xf32, #tpu.memory_space<vmem>>, vector<16xf32>,
      %parallel_loop3A_394 = arith.mulf %parallel_loop3A_372, %parallel_loop3A_378 : vector<16xf32>
      %parallel_loop3A_395 = arith.constant 3 : i32
      %parallel_loop3A_396 = arith.index_cast %parallel_loop3A_395 : i32 to index
      %parallel_loop3A_397 = arith.index_cast %parallel_loop3A_32 : i32 to index
      %parallel_loop3A_398 = tpu.vector_load %arg17[%parallel_loop3A_396, %parallel_loop3A_397] {strides = array<i32>} : memref<4x512xf32, #tpu.memory_space<vmem>>, vector<16xf32>,
      tpu.vector_store %arg17[%parallel_loop3A_396, %parallel_loop3A_397], %parallel_loop3A_394 {strides = array<i32>} : memref<4x512xf32, #tpu.memory_space<vmem>>, vector<16xf32>,
    } {sc.loop_unroll_factor = 4 : i64, sc.parallel_access}
    "tpu.region"() ({
      %run_scoped3A = tpu.sem_alloc : memref<!tpu.dma_semaphore, #tpu.memory_space<semaphore_mem>>
      %dma_start3A_30 = arith.constant 0 : i32
      %dma_start3A_31 = tpu.memref_slice %arg9[%dma_start3A_30, %mul3A_2] : memref<4x16384xf32, #tpu.memory_space<hbm>> -> memref<4x512xf32, #tpu.memory_space<hbm>>
      %dma_start3A_32 = arith.constant 0 : i32
      %dma_start3A_33 = tpu.memref_slice %arg9[%dma_start3A_32, %mul3A_2] : memref<4x16384xf32, #tpu.memory_space<hbm>> -> memref<4x512xf32, #tpu.memory_space<hbm>>
      tpu.enqueue_dma source(%arg17 : memref<4x512xf32, #tpu.memory_space<vmem>>) target(%dma_start3A_33 : memref<4x512xf32, #tpu.memory_space<hbm>>) target_semaphore(%run_scoped3A : memref<!tpu.dma_semaphore, #tpu.memory_space<semaphore_mem>>)
      %dma_wait3A_34 = arith.constant 0 : i32
      %dma_wait3A_35 = tpu.memref_slice %arg9[%dma_wait3A_34, %mul3A_2] : memref<4x16384xf32, #tpu.memory_space<hbm>> -> memref<4x512xf32, #tpu.memory_space<hbm>>
      %dma_wait3A_36 = arith.constant 0 : i32
      %dma_wait3A_37 = tpu.memref_slice %arg9[%dma_wait3A_36, %mul3A_2] : memref<4x16384xf32, #tpu.memory_space<hbm>> -> memref<4x512xf32, #tpu.memory_space<hbm>>
      tpu.wait_dma2 semaphore(%run_scoped3A : memref<!tpu.dma_semaphore, #tpu.memory_space<semaphore_mem>>) src(%arg17 : memref<4x512xf32, #tpu.memory_space<vmem>>) dst(%dma_wait3A_37 : memref<4x512xf32, #tpu.memory_space<hbm>>)
      tpu.yield
    }) : () -> ()
    return
  }
}

</mosaic_0001>

<sc_bundles>
// kernel: kernel.3.cloned.1.call-start
scs
__scs_entry_jumppad:
0x0: {  	(pc) =	sbr.rel $0x88, $3  }
0x1: {  	(tag) =	ssettag $0x0;
	lr =	simm.s32 $0x1  }
0x2: {  	[smem:$0x3F9A] =	sst lr;
	_ =	strace $0xD0000000  }
0x3: {  	_ = 	snop  }
0x4: {  	_ = 	snop  }
0x5: {  	_ = 	snop  }
0x6: {  	_ = 	snop  }
0x7: {  	_ = 	snop  }
__scs_overlays_trampoline_lowered:
0x8: {  	[smem:$0x3FA9] =	sst s0  }
0x9: {  	[smem:$0x3FAA] =	sst s1  }
0xa: {  	[smem:$0x3FAB] =	sst s2  }
0xb: {  	[smem:$0x3FAC] =	sst s3  }
0xc: {  	[smem:$0x3FAD] =	sst s4  }
0xd: {  	[smem:$0x3FAE] =	sst s5  }
0xe: {  	[smem:$0x3FAF] =	sst s6  }
0xf: {  	[smem:$0x3FB0] =	sst s7  }
0x10: {  	[smem:$0x3FB1] =	sst s8  }
0x11: {  	[smem:$0x3FB2] =	sst s9;
	s0 =	simm.s32 @!p0 $0x0  }
0x12: {  	s1 =	sld [smem:$0x3F98];
	s0 =	simm.s32 @p0 $0x1  }
0x13: {  	[smem:$0x3FB3] =	sst s0;
	s0 =	simm.s32 @!p1 $0x0  }
0x14: {  	s2 =	sld [smem:$0x3F97];
	s0 =	simm.s32 @p1 $0x1  }
0x15: {  	[smem:$0x3FB4] =	sst s0;
	s0 =	simm.s32 @!p2 $0x0  }
0x16: {  	s3 =	sld [smem:$0x3FDB];
	s0 =	simm.s32 @p2 $0x1  }
0x17: {  	s4 =	simm.s32 $0x1BF5;
	[smem:$0x3FB6] =	sst s0  }
0x18: {  	s0 =	sld [smem:$0x3F99];
	_ =	swait.ge [sflag:s4], $0x0  }
0x19: {  	s7 =	sld [smem:$0x3F9A]  }
0x1a: {  	s8 =	sadd.s32 $0xFFFFE003, lr  }
0x1b: {  	s9 =	sadd.s32 $0xFFFFFEF7, lr;
	s5 =	simm.s32 $0xFFFFFFFF;
	p2 =	slt.u32 s8, $0xFFFFF086  }
0x1c: {  	p1 =	slt.u32 s9, $0xF7A;
	s5 =	simm.s32 @!p2 $0x0  }
0x1d: {  	s5 =	simm.s32 @p1 $0x1;
	p0 =	seq.s32 s7, s2  }
0x1e: {  	s7 =	smul.u32 @!p0 $0xF7A, s2;
	p2 =	seq.s32 @!p0 s5, $0x0  }
0x1f: {  	s9 =	smul.u32 $0xF7A, s1;
	s8 =	simm.s32 @!p0 $0x1BF5;
	p2 =	por !p2, p0  }
0x20: {  	[sflag:s8] =	ssyncset.s32 @!p0 $0xFFFFF086;
	s6 =	sadd.s32 @!p0 s3, s7;
	s7 =	simm.s32 @!p0 $0x108  }
0x21: {  	s3 =	sadd.s32 s3, s9;
	s6 =	sadd.s32 @!p0 $0x88, s6;
	s7 =	simm.s32 @p2 $0x1082  }
0x22: {  	[simem:s7], [sflag:s8] =	dma.local @!p0 [hbm:s6], $0xF7A  }
0x23: {  	s9 =	sor.u32 $0xD0000000, s2;
	s6 =	simm.s32 $0x108;
	_ =	swait.ge @!p0 [sflag:s8], $0x0  }
0x24: {  	s3 =	sadd.s32 $0x88, s3;
	s6 =	simm.s32 @!p1 $0x1082;
	[sflag:s4] =	ssyncset.s32 $0xFFFFF086  }
0x25: {  	[simem:s6], [sflag:s4] =	dma.local [hbm:s3], $0xF7A  }
0x26: {  	[smem:$0x3F9A] =	sst s1;
	(tag) =	ssettag s2;
	_ =	strace s9  }
0x27: {  	s1 =	sld [smem:$0x3FAA]  }
0x28: {  	s2 =	sld [smem:$0x3FAB]  }
0x29: {  	s4 =	sld [smem:$0x3FAD]  }
0x2a: {  	p0 =	seq.s32 s5, $0x0;
	s5 =	sld [smem:$0x3FAE]  }
0x2b: {  	s6 =	sld [smem:$0x3FAF]  }
0x2c: {  	s7 =	sld [smem:$0x3FB0]  }
0x2d: {  	s3 =	simm.s32 $0x108;
	s8 =	sld [smem:$0x3FB1]  }
0x2e: {  	s3 =	simm.s32 @!p0 $0x1082;
	s9 =	sld [smem:$0x3FB2]  }
0x2f: {  	lr =	sadd.s32 s0, s3;
	s0 =	sld [smem:$0x3FA9]  }
0x30: {  	s3 =	sld [smem:$0x3FAC]  }
0x31: {  	[smem:$0x3FB5] =	sst s10  }
0x32: {  	s10 =	sld [smem:$0x3FB3];
	_ =	sdelay $0x3  }
0x33: {  	p0 =	seq.s32 s10, $0x1;
	s10 =	sld [smem:$0x3FB5];
	_ =	sdelay $0x3  }
0x34: {  	[smem:$0x3FB5] =	sst s10  }
0x35: {  	s10 =	sld [smem:$0x3FB4];
	_ =	sdelay $0x3  }
0x36: {  	p1 =	seq.s32 s10, $0x1;
	s10 =	sld [smem:$0x3FB5];
	_ =	sdelay $0x3  }
0x37: {  	[smem:$0x3FB5] =	sst s10  }
0x38: {  	s10 =	sld [smem:$0x3FB6]  }
0x39: {  	_ = 	snop;
	(pc) =	sbr.ind lr, $3  }
0x3a: {  	_ = 	snop  }
0x3b: {  	_ = 	snop  }
0x3c: {  	p2 =	seq.s32 s10, $0x1;
	s10 =	sld [smem:$0x3FB5]  }
0x3d: {  	_ =	shalt  }
0x3e: {  	_ =	shalt  }
0x3f: {  	_ =	shalt  }
0x40: {  	_ =	shalt  }
0x41: {  	_ =	shalt  }
0x42: {  	_ =	shalt  }
0x43: {  	_ =	shalt  }
0x44: {  	_ =	shalt  }
0x45: {  	_ =	shalt  }
0x46: {  	_ =	shalt  }
0x47: {  	_ =	shalt  }
0x48: {  	_ =	shalt  }
0x49: {  	_ =	shalt  }
0x4a: {  	_ =	shalt  }
0x4b: {  	_ =	shalt  }
0x4c: {  	_ =	shalt  }
0x4d: {  	_ =	shalt  }
0x4e: {  	_ =	shalt  }
0x4f: {  	_ =	shalt  }
0x50: {  	_ =	shalt  }
0x51: {  	_ =	shalt  }
0x52: {  	_ =	shalt  }
0x53: {  	_ =	shalt  }
0x54: {  	_ =	shalt  }
0x55: {  	_ =	shalt  }
0x56: {  	_ =	shalt  }
0x57: {  	_ =	shalt  }
0x58: {  	_ =	shalt  }
0x59: {  	_ =	shalt  }
0x5a: {  	_ =	shalt  }
0x5b: {  	_ =	shalt  }
0x5c: {  	_ =	shalt  }
0x5d: {  	_ =	shalt  }
0x5e: {  	_ =	shalt  }
0x5f: {  	_ =	shalt  }
0x60: {  	_ =	shalt  }
0x61: {  	_ =	shalt  }
0x62: {  	_ =	shalt  }
0x63: {  	_ =	shalt  }
0x64: {  	_ =	shalt  }
0x65: {  	_ =	shalt  }
0x66: {  	_ =	shalt  }
0x67: {  	_ =	shalt  }
0x68: {  	_ =	shalt  }
0x69: {  	_ =	shalt  }
0x6a: {  	_ =	shalt  }
0x6b: {  	_ =	shalt  }
0x6c: {  	_ =	shalt  }
0x6d: {  	_ =	shalt  }
0x6e: {  	_ =	shalt  }
0x6f: {  	_ =	shalt  }
0x70: {  	_ =	shalt  }
0x71: {  	_ =	shalt  }
0x72: {  	_ =	shalt  }
0x73: {  	_ =	shalt  }
0x74: {  	_ =	shalt  }
0x75: {  	_ =	shalt  }
0x76: {  	_ =	shalt  }
0x77: {  	_ =	shalt  }
0x78: {  	_ =	shalt  }
0x79: {  	_ =	shalt  }
0x7a: {  	_ =	shalt  }
0x7b: {  	_ =	shalt  }
0x7c: {  	_ =	shalt  }
0x7d: {  	_ =	shalt  }
0x7e: {  	_ =	shalt  }
0x7f: {  	_ =	shalt  }
0x80: {  	_ =	shalt  }
0x81: {  	_ =	shalt  }
0x82: {  	_ =	shalt  }
0x83: {  	_ =	shalt  }
0x84: {  	_ =	shalt  }
0x85: {  	_ =	shalt  }
0x86: {  	_ =	shalt  }
0x87: {  	_ =	shalt  }
.Lfunc_end0:
.L_simem_size_0:
called_computation_lowered:
.L_overlay_start_0:
0x88: {  	s2 =	sld [smem:$0x3FD9]  }
0x89: {  	s3 =	sld [smem:$0x3FFE];
	_ =	sdelay $0x1  }
0x8a: {  	s1 =	srdreg.scid  }
0x8b: {  	s0 =	sand.u32 $0x1, s1  }
0x8c: {  	s18 =	sshll.u32 s0, $0xA;
	s2 =	sadd.s32 s3, s2  }
0x8d: {  	s2 =	sadd.s32 s2, s18  }
0x8e: {  	[smem:$0x3FC1] =	sst s2  }
0x8f: {  	_ = 	snop  }
0x90: {  	s2 =	sld [smem:$0x3FC9]  }
0x91: {  	s19 =	sld [smem:$0x3FC8]  }
0x92: {  	s4 =	sld [smem:$0x3FC7]  }
0x93: {  	s5 =	sld [smem:$0x3FC6]  }
0x94: {  	s6 =	sld [smem:$0x3FC5]  }
0x95: {  	s7 =	sld [smem:$0x3FC4]  }
0x96: {  	s8 =	sld [smem:$0x3FC3]  }
0x97: {  	s9 =	sld [smem:$0x3FD0];
	(tm) =	ssettm $0x1  }
0x98: {  	s10 =	sld [smem:$0x3FFB];
	_ =	sdelay $0x3  }
0x99: {  	_ =	strace s10  }
0x9a: {  	s10 =	sld [smem:$0x3FFC];
	_ =	sdelay $0x3  }
0x9b: {  	_ =	strace s10  }
0x9c: {  	s10 =	sld [smem:$0x3FFD];
	_ =	sdelay $0x3  }
0x9d: {  	_ =	strace s10  }
0x9e: {  	_ =	strace $0x8FFFFFFF  }
0x9f: {  	s20 =	sld [smem:$0x3FDB];
	_ =	sdelay $0x1  }
0xa0: {  	s11 =	simm.s32 $_scs_section_size  }
0xa1: {  	s12 =	simm.s32 $_size__tile_overlayer_lowered;
	s13 =	simm.s32 $_tile_overlayer_lowered  }
0xa2: {  	s23 =	simm.s32 $0x1BFF;
	s22 =	sshll.u32 s13, $0x1;
	s10 =	sadd.s32 s11, s20  }
0xa3: {  	s14 =	simm.s32 $0x0;
	s21 =	sshll.u32 s12, $0x1;
	s12 =	sadd.s32 s22, s10  }
0xa4: {  	[timem:s14], [sflag:s23] =	dma.local [hbm:s12], s21  }
0xa5: {  	_ =	swait.ge [sflag:s23], s21  }
0xa6: {  	s11 =	ssub.s32 $0x0, s21;
	[sflag:s23] =	ssyncset.done $0x0  }
0xa7: {  	[sflag:s23] =	ssyncadd.s32 s11;
	_ =	sdelay $0x1  }
0xa8: {  	s24 =	simm.s32 $0x1B8B  }
0xa9: {  	_ =	swait.ge [sflag:s24], $0x1  }
0xaa: {  	[sflag:s24] =	ssyncset.done $0x0  }
0xab: {  	s25 =	simm.s32 $0x1B8E;
	[sflag:s24] =	ssyncadd.s32 $0xFFFFFFFF  }
0xac: {  	s26 =	simm.s32 $execute0_lowered;
	[smem:$0x3FD2] =	sst s25  }
0xad: {  	s11 =	sshll.u32 s26, $0x1;
	_ =	strace $0x80000046;
	[dreg:$0x1] =	wrdreg $0xFFFFFFFF  }
0xae: {  	s28 =	simm.s32 $_size_execute0_lowered;
	s10 =	sadd.s32 s10, s11;
	[dreg:$0x0] =	wrdreg $0x0  }
0xaf: {  	s11 =	sshll.u32 s28, $0x1;
	[dreg:$0x2] =	wrdreg s10  }
0xb0: {  	[dreg:$0x3] =	wrdreg s11  }
0xb1: {  	[dreg:$0x4] =	wrdreg $0xC0  }
0xb2: {  	_ =	task [dreg:s14], $0x5FFFF  }
0xb3: {  	[dreg:$0x1] =	wrdreg $0xFFFFFFFF  }
0xb4: {  	[dreg:$0x0] =	wrdreg $0x60  }
0xb5: {  	[dreg:$0x2] =	wrdreg s2  }
0xb6: {  	[dreg:$0x3] =	wrdreg s19  }
0xb7: {  	[dreg:$0x4] =	wrdreg s4  }
0xb8: {  	[dreg:$0x5] =	wrdreg s5  }
0xb9: {  	[dreg:$0x6] =	wrdreg s6  }
0xba: {  	[dreg:$0x7] =	wrdreg s7  }
0xbb: {  	[dreg:$0x8] =	wrdreg s8  }
0xbc: {  	[dreg:$0x9] =	wrdreg s9  }
0xbd: {  	[dreg:$0xa] =	wrdreg $0x9  }
0xbe: {  	_ =	task.clear_ibuf [dreg:s14], $0xBFFFF;
	_ =	strace $0x90000046  }
0xbf: {  	s29 =	simm.s32 $0x9;
	_ =	strace $0x80000048  }
0xc0: {  	_ =	swait.ge [sflag:s29], $0x1  }
0xc1: {  	[sflag:s29] =	ssyncadd.s32 $0xFFFFFFFF  }
0xc2: {  	_ =	strace $0x90000048  }
0xc3: {  	_ =	sfence  }
0xc4: {  	s30 =	sld [smem:$0x0];
	_ =	sdelay $0x2  }
0xc5: {  	s31 =	sshll.u32 s1, $0xD;
	s1 =	sshrl.u32 s1, $0x2  }
0xc6: {  	s3 =	sand.u32 $0x4000, s31;
	s1 =	sadd.s32 s1, s30  }
0xc7: {  	s0 =	sor.u32 s3, s0;
	s1 =	sshll.u32 s1, $0x11  }
0xc8: {  	s0 =	sor.u32 s1, s0  }
0xc9: {  	s0 =	sadd.s32 $0x8F2B, s0  }
0xca: {  	[sflag:s0] =	ssyncadd.remote.s32 $0x1  }
0xcb: {  	_ =	sfence.sel $0xFFFF  }
0xcc: {  	[dreg:$0x0] =	wrdreg $0xFFFFFFFF;
	(pc) =	sbr.abs _section_cstart, $3  }
0xcd: {  	[dreg:$0x1] =	wrdreg $0xFFFFFFFF  }
0xce: {  	_ =	task.clear_ibuf [dreg:s14], $0x2FFFF;
	_ =	strace $0x9FFFFFFF  }
0xcf: {  	(tm) =	ssettm $0x7FFFFFFF  }
tec
execute0_lowered:
.L_overlay_start_1:
0x0: {  	(tag) =	ssettag $0x1  }
0x1: {  	s7 =	rddreg [dreg:$0x0]  }
0x2: {  	s8 =	rddreg [dreg:$0x1]  }
0x3: {  	s9 =	rddreg [dreg:$0x2]  }
0x4: {  	s1 =	rddreg [dreg:$0x3]  }
0x5: {  	s2 =	rddreg [dreg:$0x4]  }
0x6: {  	s3 =	rddreg [dreg:$0x5]  }
0x7: {  	s4 =	rddreg [dreg:$0x6]  }
0x8: {  	s10 =	rddreg [dreg:$0x7]  }
0x9: {  	s0 =	rddreg [dreg:$0x8];
	s6 =	simm.s32 $0x0;
	s11 =	srdreg.scid  }
0xa: {  	s5 =	stileid.u32;
	s15 =	simm.s32 $0x1900;
	s16 =	simm.s32 $0x1A00  }
0xb: {  	s17 =	simm.s32 $0x1B00;
	s18 =	simm.s32 $0x1;
	s19 =	simm.s32 $0x1C00  }
0xc: {  	s20 =	simm.s32 $0x2;
	s21 =	simm.s32 $0x0;
	s11 =	sand.u32 $0x1, s11  }
0xd: {  	s13 =	sshll.u32 s5, $0xA;
	s12 =	ssub.s32 $0x2, s11;
	s11 =	sshll.u32 s11, $0x9  }
0xe: {  	[smem:$0x7FF] =	sst s6;
	s14 =	sshrl.u32 s12, $0x1;
	s11 =	sor.u32 s11, s13  }
0xf: {  	_ =	strace $0x80000047;
	s12 =	ssub.s32 s12, s14;
	s7 =	sadd.s32 s7, s11  }
0x10: {  	s13 =	sshrl.u32 s11, $0x2;
	s11 =	sshrl.u32 s11, $0x1;
	s14 =	simm.s32 $0x1800  }
0x11: {  	s8 =	sadd.s32 s8, s13;
	s9 =	sadd.s32 s9, s13;
	s10 =	sadd.s32 s10, s11  }
0x12: {  	s11 =	smax.u32 s12, $0x1;
	s12 =	simm.s32 $0x1000;
	s13 =	simm.s32 $0x1400  }
.LBB2_1:
0x13: {  	[tilespmem:s6], [sflag:$0x1] =	stream.linear.gather [hbm4b:s7+s6], $0x1000, $0x38;
	[tilespmem:$0x2400] =	vst v63  }
0x14: {  	_ = 	snop  }
0x15: {  	[tilespmem:s12], [sflag:$0x1] =	stream.linear.gather [hbm4b:s8+s6], $0x400, $0x38;
	[tilespmem:$0x2400] =	vst v63  }
0x16: {  	_ = 	snop  }
0x17: {  	[tilespmem:s13], [sflag:$0x1] =	stream.linear.gather [hbm4b:s9+s6], $0x400, $0x38;
	[tilespmem:$0x2400] =	vst v63  }
0x18: {  	_ = 	snop  }
0x19: {  	[tilespmem:s14], [sflag:$0x1] =	stream.linear.gather [hbm4b:s1+s6], $0x100, $0x38;
	[tilespmem:$0x2400] =	vst v63  }
0x1a: {  	_ = 	snop  }
0x1b: {  	[tilespmem:s15], [sflag:$0x1] =	stream.linear.gather [hbm4b:s2+s6], $0x100, $0x38;
	[tilespmem:$0x2400] =	vst v63  }
0x1c: {  	_ = 	snop  }
0x1d: {  	[tilespmem:s16], [sflag:$0x1] =	stream.linear.gather [hbm4b:s3+s6], $0x100, $0x38;
	[tilespmem:$0x2400] =	vst v63  }
0x1e: {  	_ = 	snop  }
0x1f: {  	[tilespmem:s17], [sflag:$0x1] =	stream.linear.gather [hbm4b:s4+s6], $0x100, $0x38;
	[tilespmem:$0x2400] =	vst v63  }
0x20: {  	_ =	swait.ge [sflag:s18], $0x1000  }
0x21: {  	[sflag:s18] =	ssyncset.done $0x0  }
0x22: {  	[sflag:s18] =	ssyncadd.s32 $0xFFFFF000  }
0x23: {  	_ =	swait.ge [sflag:s18], $0x400  }
0x24: {  	[sflag:s18] =	ssyncset.done $0x0  }
0x25: {  	[sflag:s18] =	ssyncadd.s32 $0xFFFFFC00  }
0x26: {  	_ =	swait.ge [sflag:s18], $0x400  }
0x27: {  	[sflag:s18] =	ssyncset.done $0x0  }
0x28: {  	[sflag:s18] =	ssyncadd.s32 $0xFFFFFC00  }
0x29: {  	_ =	swait.ge [sflag:s18], $0x100  }
0x2a: {  	[sflag:s18] =	ssyncset.done $0x0  }
0x2b: {  	[sflag:s18] =	ssyncadd.s32 $0xFFFFFF00  }
0x2c: {  	_ =	swait.ge [sflag:s18], $0x100  }
0x2d: {  	[sflag:s18] =	ssyncset.done $0x0  }
0x2e: {  	[sflag:s18] =	ssyncadd.s32 $0xFFFFFF00  }
0x2f: {  	_ =	swait.ge [sflag:s18], $0x100  }
0x30: {  	[sflag:s18] =	ssyncset.done $0x0  }
0x31: {  	[sflag:s18] =	ssyncadd.s32 $0xFFFFFF00  }
0x32: {  	_ =	swait.ge [sflag:s18], $0x100  }
0x33: {  	[sflag:s18] =	ssyncset.done $0x0  }
0x34: {  	s22 =	simm.s32 $0xFFFFFFFC;
	s23 =	simm.s32 $0x0;
	[sflag:s18] =	ssyncadd.s32 $0xFFFFFF00  }
.LBB2_2:
0x35: {  	s22 =	sadd.s32 $0x4, s22  }
0x36: {  	s25 =	sshll.u32 s22, $0x7  }
0x37: {  	s24 =	sand.u32 $0x40, s23;
	s28 =	sand.u32 $0x3FFFFC00, s25  }
0x38: {  	s26 =	sshll.u32 s22, $0x5;
	s25 =	sor.u32 s24, s28  }
0x39: {  	s26 =	sand.u32 $0xFFFFFF00, s26;
	v0 =	vld [tilespmem:s25+$0x0]  }
0x3a: {  	s29 =	sor.u32 s24, s26  }
0x3b: {  	v1 =	vld [tilespmem:s29+$0x1000]  }
0x3c: {  	v2 =	vld [tilespmem:s29+$0x1400]  }
0x3d: {  	v5 =	vld [tilespmem:s25+$0x80]  }
0x3e: {  	v13 =	vld [tilespmem:s25+$0x100]  }
0x3f: {  	v25 =	vld [tilespmem:s25+$0x180]  }
0x40: {  	v28 =	vld [tilespmem:s25+$0x200]  }
0x41: {  	v3 =	vld.idx.msk [tilespmem:v0+s14+$0x0], $0xffff  }
0x42: {  	v6 =	vld.idx.msk [tilespmem:v0+s15+$0x0], $0xffff  }
0x43: {  	v7 =	vld.idx.msk [tilespmem:v0+s16+$0x0], $0xffff  }
0x44: {  	v8 =	vld.idx.msk [tilespmem:v0+s17+$0x0], $0xffff  }
0x45: {  	v12 =	vld.idx.msk [tilespmem:v5+s14+$0x0], $0xffff  }
0x46: {  	v14 =	vld.idx.msk [tilespmem:v5+s15+$0x0], $0xffff  }
0x47: {  	v15 =	vld.idx.msk [tilespmem:v5+s16+$0x0], $0xffff  }
0x48: {  	v46 =	vadd.s32 $0x80, v5;
	v5 =	vld.idx.msk [tilespmem:v5+s17+$0x0], $0xffff  }
0x49: {  	v23 =	vld.idx.msk [tilespmem:v13+s14+$0x0], $0xffff  }
0x4a: {  	v48 =	vld.idx.msk [tilespmem:v13+s15+$0x0], $0xffff  }
0x4b: {  	v49 =	vld.idx.msk [tilespmem:v13+s16+$0x0], $0xffff  }
0x4c: {  	v4 =	vadd.s32 $0x80, v0;
	v51 =	vld.idx.msk [tilespmem:v13+s17+$0x0], $0xffff  }
0x4d: {  	v63 =	vld.idx.msk [tilespmem:v25+s14+$0x0], $0xffff  }
0x4e: {  	v26 =	vld.idx.msk [tilespmem:v25+s15+$0x0], $0xffff  }
0x4f: {  	v30 =	vld.idx.msk [tilespmem:v25+s16+$0x0], $0xffff  }
0x50: {  	v43 =	vld.idx.msk [tilespmem:v28+s15+$0x0], $0xffff  }
0x51: {  	v24 =	vadd.s32 $0x80, v13;
	v9 =	vld.idx.msk [tilespmem:v4+s14+$0x0], $0xffff  }
0x52: {  	v16 =	vsub.f32 $1.000000000e+00, v1;
	v18 =	vsub.f32 $1.000000000e+00, v2;
	v10 =	vld.idx.msk [tilespmem:v4+s15+$0x0], $0xffff  }
0x53: {  	v20 =	vmul.f32 v2, v1;
	v11 =	vld.idx.msk [tilespmem:v4+s16+$0x0], $0xffff  }
0x54: {  	v2 =	vmul.f32 v16, v2;
	v1 =	vmul.f32 v18, v1;
	v4 =	vld.idx.msk [tilespmem:v4+s17+$0x0], $0xffff  }
0x55: {  	v0 =	vmul.f32 v18, v16;
	v17 =	vld.idx.msk [tilespmem:v46+s14+$0x0], $0xffff;
	v3 =	vmul.f32 v3, v20  }
0x56: {  	v53 =	vld.idx.msk [tilespmem:v24+s14+$0x0], $0xffff;
	v6 =	vmul.f32 v6, v2;
	v47 =	vmul.f32 v7, v1  }
0x57: {  	v54 =	vld.idx.msk [tilespmem:v24+s15+$0x0], $0xffff;
	v50 =	vmul.f32 v8, v0;
	v55 =	vmul.f32 v12, v20  }
0x58: {  	v57 =	vld.idx.msk [tilespmem:v24+s16+$0x0], $0xffff;
	v56 =	vmul.f32 v14, v2;
	v58 =	vmul.f32 v15, v1  }
0x59: {  	v59 =	vld.idx.msk [tilespmem:v24+s17+$0x0], $0xffff;
	v24 =	vmul.f32 v23, v20;
	v7 =	vmul.f32 v48, v2  }
0x5a: {  	v19 =	vld.idx.msk [tilespmem:v46+s15+$0x0], $0xffff;
	v5 =	vmul.f32 v5, v0;
	v29 =	vmul.f32 v49, v1  }
0x5b: {  	v60 =	vadd.s32 $0x80, v25;
	v21 =	vld.idx.msk [tilespmem:v46+s16+$0x0], $0xffff;
	v8 =	vmul.f32 v51, v0;
	v37 =	vmul.f32 v63, v20  }
0x5c: {  	v39 =	vmul.f32 v26, v2;
	v42 =	vmul.f32 v30, v1  }
0x5d: {  	v22 =	vld.idx.msk [tilespmem:v46+s17+$0x0], $0xffff;
	v51 =	vmul.f32 v43, v2;
	v9 =	vmul.f32 v9, v20  }
0x5e: {  	v10 =	vmul.f32 v10, v2;
	v52 =	vmul.f32 v11, v1  }
0x5f: {  	v40 =	vadd.s32 $0x80, v28;
	v38 =	vld.idx.msk [tilespmem:v25+s17+$0x0], $0xffff;
	v4 =	vmul.f32 v4, v0;
	v61 =	vmul.f32 v17, v20  }
0x60: {  	v31 =	vld.idx.msk [tilespmem:v60+s14+$0x0], $0xffff;
	v3 =	vadd.f32 v6, v3;
	v62 =	vmul.f32 v19, v2;
	v27 =	vmul.f32 v21, v1  }
0x61: {  	v18 =	vld.idx.msk [tilespmem:v60+s17+$0x0], $0xffff;
	v7 =	vadd.f32 v7, v24;
	v11 =	vmul.f32 v53, v20;
	v6 =	vmul.f32 v54, v2  }
0x62: {  	v35 =	vld.idx.msk [tilespmem:v60+s16+$0x0], $0xffff;
	v32 =	vmul.f32 v22, v0;
	v3 =	vadd.f32 v47, v3;
	v9 =	vadd.f32 v10, v9  }
0x63: {  	v41 =	vld.idx.msk [tilespmem:v28+s14+$0x0], $0xffff;
	v34 =	vmul.f32 v57, v1;
	v10 =	vadd.f32 v56, v55;
	v12 =	vadd.f32 v62, v61  }
0x64: {  	v33 =	vld.idx.msk [tilespmem:v60+s15+$0x0], $0xffff;
	v36 =	vmul.f32 v59, v0;
	v7 =	vadd.f32 v29, v7;
	v6 =	vadd.f32 v6, v11  }
0x65: {  	v14 =	vmul.f32 v31, v20;
	v55 =	vld.idx.msk [tilespmem:v28+s16+$0x0], $0xffff;
	v3 =	vadd.f32 v50, v3;
	v9 =	vadd.f32 v52, v9  }
0x66: {  	v49 =	vmul.f32 v18, v0;
	v61 =	vld.idx.msk [tilespmem:v28+s17+$0x0], $0xffff;
	v10 =	vadd.f32 v58, v10;
	v12 =	vadd.f32 v27, v12  }
0x67: {  	v22 =	vld.idx.msk [tilespmem:v40+s17+$0x0], $0xffff;
	v11 =	vmul.f32 v35, v1;
	v7 =	vadd.f32 v8, v7;
	v6 =	vadd.f32 v34, v6  }
0x68: {  	v47 =	vmul.f32 v38, v0;
	v4 =	vadd.f32 v4, v9;
	v5 =	vadd.f32 v5, v10  }
0x69: {  	v50 =	vmul.f32 v41, v20;
	v52 =	vld.idx.msk [tilespmem:v40+s15+$0x0], $0xffff;
	v12 =	vadd.f32 v32, v12;
	v10 =	vadd.f32 v39, v37  }
0x6a: {  	v9 =	vmul.f32 v33, v2;
	v6 =	vadd.f32 v36, v6;
	v7 =	vsub.f32 v3, v7  }
0x6b: {  	v48 =	vld.idx.msk [tilespmem:v40+s14+$0x0], $0xffff;
	v54 =	vadd.f32 v51, v50;
	v13 =	vmul.f32 v55, v1;
	v26 =	vmul.f32 v61, v0  }
0x6c: {  	v0 =	vmul.f32 v22, v0;
	v5 =	vsub.f32 v3, v5;
	v12 =	vsub.f32 v4, v12  }
0x6d: {  	v9 =	vadd.f32 v9, v14;
	v6 =	vsub.f32 v4, v6;
	v53 =	vmul.f32 $1.200000050e+00, v7  }
0x6e: {  	s25 =	sor.u32 $0x10, s24;
	v58 =	vld.idx.msk [tilespmem:v40+s16+$0x0], $0xffff;
	v46 =	vadd.f32 v42, v10;
	v2 =	vmul.f32 v52, v2;
	v44 =	vmul.f32 $1.200000050e+00, v5  }
0x6f: {  	s31 =	sor.u32 s25, s28;
	v45 =	vmul.f32 $8.000000110e-01, v12;
	v9 =	vadd.f32 v11, v9;
	v56 =	vmul.f32 $8.000000110e-01, v6  }
0x70: {  	s30 =	sor.u32 s26, s25;
	v35 =	vld [tilespmem:s31+$0x0];
	v8 =	vadd.f32 v47, v46;
	v11 =	vmul.f32 v48, v20;
	v7 =	vmul.f32 v53, v7  }
0x71: {  	v40 =	vld [tilespmem:s30+$0x1000];
	v25 =	vadd.f32 v13, v54;
	v5 =	vmul.f32 v44, v5;
	v12 =	vmul.f32 v45, v12  }
0x72: {  	v42 =	vld [tilespmem:s30+$0x1400];
	v9 =	vadd.f32 v49, v9;
	v6 =	vmul.f32 v56, v6;
	v8 =	vsub.f32 v3, v8  }
0x73: {  	v1 =	vmul.f32 v58, v1;
	v2 =	vadd.f32 v2, v11;
	v5 =	vadd.f32 v12, v5  }
0x74: {  	v9 =	vsub.f32 v4, v9;
	v6 =	vadd.f32 v6, v7;
	v62 =	vmul.f32 $1.200000050e+00, v8  }
0x75: {  	v44 =	vadd.s32 $0x80, v35;
	v1 =	vadd.f32 v1, v2;
	v5 =	vmax.f32 v5, $1.000000000e-30  }
0x76: {  	v63 =	vmul.f32 $8.000000110e-01, v9;
	v6 =	vmax.f32 v6, $1.000000000e-30;
	v7 =	vmul.f32 v62, v8  }
0x77: {  	v8 =	vadd.f32 v26, v25;
	v0 =	vadd.f32 v0, v1;
	v26 =	vmul.f32 v42, v40  }
0x78: {  	v43 =	vld.idx.msk [tilespmem:v35+s14+$0x0], $0xffff;
	v57 =	vshra.s32 v5, $0x1;
	v60 =	vmul.f32 $5.000000000e-01, v5;
	v23 =	vshra.s32 v6, $0x1  }
0x79: {  	v47 =	vld [tilespmem:s31+$0x80];
	v24 =	vmul.f32 $5.000000000e-01, v6;
	v59 =	vsub.s32 $0x5F3759DF, v57;
	v21 =	vmul.f32 v63, v9  }
0x7a: {  	v51 =	vld.idx.msk [tilespmem:v44+s14+$0x0], $0xffff;
	v10 =	vsub.s32 $0x5F3759DF, v23;
	v3 =	vsub.f32 v3, v8;
	v0 =	vsub.f32 v4, v0  }
0x7b: {  	v48 =	vld.idx.msk [tilespmem:v35+s15+$0x0], $0xffff;
	v20 =	vmul.f32 v59, v60;
	v27 =	vmul.f32 v10, v24  }
0x7c: {  	v50 =	vld.idx.msk [tilespmem:v35+s16+$0x0], $0xffff;
	v7 =	vadd.f32 v21, v7;
	v37 =	vmul.f32 $1.200000050e+00, v3;
	v38 =	vmul.f32 $8.000000110e-01, v0  }
0x7d: {  	v4 =	vld.idx.msk [tilespmem:v35+s17+$0x0], $0xffff;
	v35 =	vsub.f32 $1.000000000e+00, v42;
	v11 =	vmul.f32 v59, v20;
	v29 =	vmul.f32 v10, v27  }
0x7e: {  	v7 =	vmax.f32 v7, $1.000000000e-30;
	v3 =	vmul.f32 v37, v3;
	v0 =	vmul.f32 v38, v0  }
0x7f: {  	v21 =	vmul.f32 v51, v26;
	v28 =	vsub.f32 $1.500000000e+00, v11;
	v30 =	vshra.s32 v7, $0x1  }
0x80: {  	v54 =	vld.idx.msk [tilespmem:v44+s16+$0x0], $0xffff;
	v31 =	vmul.f32 $5.000000000e-01, v7;
	v11 =	vsub.f32 $1.500000000e+00, v29;
	v32 =	vsub.s32 $0x5F3759DF, v30  }
0x81: {  	v0 =	vadd.f32 v0, v3;
	v3 =	vmul.f32 v35, v40;
	v2 =	vmul.f32 v59, v28  }
0x82: {  	v53 =	vld.idx.msk [tilespmem:v44+s15+$0x0], $0xffff;
	v13 =	vmul.f32 v32, v31;
	v10 =	vmul.f32 v10, v11  }
0x83: {  	v63 =	vld.idx.msk [tilespmem:v47+s16+$0x0], $0xffff;
	v59 =	vadd.s32 $0x80, v47;
	v0 =	vmax.f32 v0, $1.000000000e-30;
	v33 =	vmul.f32 v2, v60  }
0x84: {  	v58 =	vld.idx.msk [tilespmem:v47+s14+$0x0], $0xffff;
	v34 =	vmul.f32 v32, v13;
	v36 =	vmul.f32 v10, v24;
	v45 =	vshra.s32 v0, $0x1  }
0x85: {  	v56 =	vld.idx.msk [tilespmem:v44+s17+$0x0], $0xffff;
	v44 =	vmul.f32 v54, v3;
	v46 =	vmul.f32 $5.000000000e-01, v0;
	v14 =	vsub.s32 $0x5F3759DF, v45  }
0x86: {  	v1 =	vmul.f32 v33, v2;
	v11 =	vsub.f32 $1.500000000e+00, v34;
	v8 =	vmul.f32 v36, v10  }
0x87: {  	v62 =	vld.idx.msk [tilespmem:v47+s15+$0x0], $0xffff;
	v49 =	vmul.f32 v14, v46;
	v33 =	vsub.f32 $1.000000000e+00, v40;
	v40 =	vmul.f32 v50, v3  }
0x88: {  	v29 =	vld [tilespmem:s31+$0x180];
	v50 =	vmul.f32 v63, v3;
	v1 =	vsub.f32 $1.500000000e+00, v1;
	v9 =	vmul.f32 v32, v11  }
0x89: {  	v8 =	vsub.f32 $1.500000000e+00, v8;
	v32 =	vld.idx.msk [tilespmem:v47+s17+$0x0], $0xffff;
	v12 =	vmul.f32 v33, v42;
	v47 =	vmul.f32 v58, v26  }
0x8a: {  	v36 =	vld.idx.msk [tilespmem:v59+s15+$0x0], $0xffff;
	v1 =	vmul.f32 v1, v2;
	v39 =	vmul.f32 v9, v31  }
0x8b: {  	v27 =	vld.idx.msk [tilespmem:v59+s16+$0x0], $0xffff;
	v8 =	vmul.f32 v8, v10;
	v10 =	vmul.f32 v43, v26  }
0x8c: {  	v34 =	vld.idx.msk [tilespmem:v59+s14+$0x0], $0xffff;
	v41 =	vmul.f32 v1, v60;
	v2 =	vmul.f32 v39, v9  }
0x8d: {  	v38 =	vmul.f32 v48, v12;
	v17 =	vmul.f32 v8, v24;
	v60 =	vld [tilespmem:s31+$0x100]  }
0x8e: {  	v48 =	vmul.f32 v62, v12;
	v2 =	vsub.f32 $1.500000000e+00, v2;
	v11 =	vmul.f32 v41, v1  }
0x8f: {  	v54 =	vmul.f32 v36, v12;
	v17 =	vmul.f32 v17, v8  }
0x90: {  	v37 =	vld.idx.msk [tilespmem:v59+s17+$0x0], $0xffff;
	v59 =	vmul.f32 v27, v3;
	v2 =	vmul.f32 v2, v9;
	v11 =	vsub.f32 $1.500000000e+00, v11  }
0x91: {  	v58 =	vld.idx.msk [tilespmem:v29+s15+$0x0], $0xffff;
	v9 =	vmul.f32 v14, v49;
	v52 =	vsub.f32 $1.500000000e+00, v17;
	v17 =	vmul.f32 v53, v12  }
0x92: {  	v53 =	vmul.f32 v34, v26;
	v16 =	vmul.f32 v2, v31  }
0x93: {  	v28 =	vadd.s32 $0x80, v60;
	v1 =	vmul.f32 v11, v1;
	v9 =	vsub.f32 $1.500000000e+00, v9  }
0x94: {  	v62 =	vld.idx.msk [tilespmem:v29+s16+$0x0], $0xffff;
	v55 =	vmul.f32 v52, v8;
	v16 =	vmul.f32 v16, v2  }
0x95: {  	v1 =	vmul.f32 v1, v5;
	v9 =	vmul.f32 v14, v9;
	v41 =	vld.idx.msk [tilespmem:v60+s15+$0x0], $0xffff  }
0x96: {  	v34 =	vmul.f32 v58, v12;
	v5 =	vmul.f32 v55, v6;
	v42 =	vld.idx.msk [tilespmem:v60+s16+$0x0], $0xffff;
	v57 =	vsub.f32 $1.500000000e+00, v16  }
0x97: {  	v39 =	vld.idx.msk [tilespmem:v60+s14+$0x0], $0xffff;
	v1 =	vmul.f32 $-1.000000000e+01, v1;
	v61 =	vmul.f32 v9, v46  }
0x98: {  	v52 =	vadd.s32 $0x80, v29;
	v5 =	vmul.f32 $-1.000000000e+01, v5;
	v45 =	vld.idx.msk [tilespmem:v28+s14+$0x0], $0xffff;
	v2 =	vmul.f32 v57, v2  }
0x99: {  	v6 =	vld.idx.msk [tilespmem:v60+s17+$0x0], $0xffff;
	v1 =	vmul.f32 $1.442695020e+00, v1;
	v31 =	vmul.f32 v61, v9  }
0x9a: {  	v55 =	vld.idx.msk [tilespmem:v29+s14+$0x0], $0xffff;
	v5 =	vmul.f32 $1.442695020e+00, v5;
	v57 =	vmul.f32 v41, v12  }
0x9b: {  	v60 =	vld [tilespmem:s31+$0x200];
	v61 =	vmul.f32 v42, v3;
	v2 =	vmul.f32 v2, v7  }
0x9c: {  	v51 =	vld.idx.msk [tilespmem:v28+s17+$0x0], $0xffff;
	(erf) = vpow2.f32 v1;
	v7 =	vsub.f32 $1.500000000e+00, v31;
	v1 =	vmul.f32 v35, v33  }
0x9d: {  	v25 =	vld.idx.msk [tilespmem:v52+s14+$0x0], $0xffff;
	(erf) = vpow2.f32 v5;
	v63 =	vmul.f32 v45, v26  }
0x9e: {  	v10 =	vadd.f32 v38, v10;
	v27 =	vld.idx.msk [tilespmem:v52+s15+$0x0], $0xffff;
	v2 =	vmul.f32 $-1.000000000e+01, v2;
	v7 =	vmul.f32 v7, v9  }
0x9f: {  	v30 =	vld.idx.msk [tilespmem:v52+s16+$0x0], $0xffff;
	v4 =	vmul.f32 v4, v1;
	v8 =	vmul.f32 v56, v1  }
0xa0: {  	v10 =	vadd.f32 v40, v10;
	v49 =	vld.idx.msk [tilespmem:v28+s16+$0x0], $0xffff;
	v56 =	vmul.f32 v39, v26;
	v11 =	vmul.f32 v32, v1  }
0xa1: {  	v13 =	vadd.f32 v54, v53;
	v36 =	vld.idx.msk [tilespmem:v52+s17+$0x0], $0xffff;
	v9 =	vmul.f32 v37, v1;
	v6 =	vmul.f32 v6, v1  }
0xa2: {  	v43 =	vadd.f32 v17, v21;
	v33 =	vld.idx.msk [tilespmem:v29+s17+$0x0], $0xffff;
	v31 =	vmul.f32 v51, v1;
	v32 =	vmul.f32 v55, v26  }
0xa3: {  	v13 =	vadd.f32 v59, v13;
	v35 =	vmul.f32 v25, v26;
	v19 =	vmul.f32 v27, v12;
	v38 =	vld.idx.msk [tilespmem:v60+s14+$0x0], $0xffff  }
0xa4: {  	v5 =	vadd.f32 v44, v43;
	v39 =	vmul.f32 v62, v3;
	v14 =	vmul.f32 v30, v3;
	v40 =	vld.idx.msk [tilespmem:v60+s15+$0x0], $0xffff  }
0xa5: {  	v37 =	vadd.s32 $0x80, v60;
	v18 =	vld.idx.msk [tilespmem:v60+s17+$0x0], $0xffff;
	v2 =	vmul.f32 $1.442695020e+00, v2;
	v15 =	vmul.f32 v7, v46  }
0xa6: {  	v46 =	vld.idx.msk [tilespmem:v28+s15+$0x0], $0xffff;
	v5 =	vadd.f32 v8, v5;
	v8 =	vadd.f32 v57, v56;
	v28 =	vmul.f32 v49, v3  }
0xa7: {  	v9 =	vadd.f32 v9, v13;
	v16 =	vadd.f32 v19, v35;
	v44 =	vmul.f32 v33, v1  }
0xa8: {  	v15 =	vmul.f32 v15, v7;
	(erf) = vpow2.f32 v2;
	v2 =	vadd.f32 v4, v10  }
0xa9: {  	v10 =	vadd.f32 v48, v47;
	v8 =	vadd.f32 v61, v8;
	v47 =	vmul.f32 v36, v1  }
0xaa: {  	v54 =	vld.idx.msk [tilespmem:v60+s16+$0x0], $0xffff;
	v9 =	vsub.f32 v5, v9;
	v48 =	vmul.f32 v38, v26;
	v49 =	vmul.f32 v40, v12  }
0xab: {  	v57 =	vld.idx.msk [tilespmem:v37+s16+$0x0], $0xffff;
	v29 =	vmul.f32 v18, v1;
	v15 =	vsub.f32 $1.500000000e+00, v15;
	v10 =	vadd.f32 v50, v10  }
0xac: {  	v25 =	vld.idx.msk [tilespmem:v37+s17+$0x0], $0xffff;
	v6 =	vadd.f32 v6, v8;
	v42 =	vmul.f32 $8.000000110e-01, v9;
	v4 =	vmul.f32 v46, v12  }
0xad: {  	v10 =	vadd.f32 v11, v10;
	v7 =	vmul.f32 v15, v7;
	v11 =	vadd.f32 v34, v32  }
0xae: {  	v50 =	vld.idx.msk [tilespmem:v37+s15+$0x0], $0xffff;
	v9 =	vmul.f32 v42, v9;
	v6 =	vsub.f32 v2, v6;
	v4 =	vadd.f32 v4, v63  }
0xaf: {  	v46 =	vld.idx.msk [tilespmem:v37+s14+$0x0], $0xffff;
	v15 =	vmul.f32 v54, v3;
	v10 =	vsub.f32 v2, v10;
	v43 =	vadd.f32 v39, v11  }
0xb0: {  	v52 =	vmul.f32 $1.200000050e+00, v6;
	v3 =	vmul.f32 v57, v3;
	v4 =	vadd.f32 v28, v4  }
0xb1: {  	v45 =	vadd.f32 v14, v16;
	v1 =	vmul.f32 v25, v1;
	v41 =	vmul.f32 $1.200000050e+00, v10  }
0xb2: {  	v0 =	vmul.f32 v7, v0;
	v8 =	vadd.f32 v44, v43;
	v4 =	vadd.f32 v31, v4  }
0xb3: {  	v51 =	vadd.f32 v47, v45;
	v12 =	vmul.f32 v50, v12;
	v10 =	vmul.f32 v41, v10  }
0xb4: {  	v14 =	vmul.f32 v46, v26;
	v8 =	vsub.f32 v2, v8;
	v4 =	vsub.f32 v5, v4  }
0xb5: {  	v6 =	vmul.f32 v52, v6;
	v9 =	vadd.f32 v9, v10;
	v10 =	vsub.f32 v5, v51  }
0xb6: {  	v53 =	vadd.f32 v49, v48;
	v0 =	vmul.f32 $-1.000000000e+01, v0;
	v55 =	vmul.f32 $8.000000110e-01, v4  }
0xb7: {  	v60 =	vmul.f32 $1.200000050e+00, v8;
	v9 =	vmax.f32 v9, $1.000000000e-30;
	v61 =	vmul.f32 $8.000000110e-01, v10  }
0xb8: {  	v56 =	vshra.s32 v9, $0x1;
	v4 =	vmul.f32 v55, v4;
	v59 =	vmul.f32 $5.000000000e-01, v9  }
0xb9: {  	v12 =	vadd.f32 v12, v14;
	v23 =	vmul.f32 v60, v8;
	v58 =	vsub.s32 $0x5F3759DF, v56  }
0xba: {  	v24 =	vmul.f32 v61, v10;
	v4 =	vadd.f32 v4, v6;
	v62 =	vmul.f32 v58, v59  }
0xbb: {  	s29 =	sor.u32 $0x20, s24;
	v28 =	vadd.f32 v15, v53;
	v0 =	vmul.f32 $1.442695020e+00, v0;
	v3 =	vadd.f32 v3, v12  }
0xbc: {  	s30 =	sor.u32 s29, s28;
	v63 =	vmax.f32 v4, $1.000000000e-30;
	v14 =	vmul.f32 v58, v62;
	v4 =	vadd.f32 v24, v23  }
0xbd: {  	v46 =	vld [tilespmem:s30+$0x0];
	(erf) = vpow2.f32 v0;
	v26 =	vshra.s32 v63, $0x1;
	v27 =	vmul.f32 $5.000000000e-01, v63  }
0xbe: {  	s31 =	sor.u32 s26, s29;
	v10 =	vsub.s32 $0x5F3759DF, v26;
	v31 =	vsub.f32 $1.500000000e+00, v14;
	v32 =	vmax.f32 v4, $1.000000000e-30  }
0xbf: {  	v52 =	vld [tilespmem:s31+$0x1400];
	v30 =	vmul.f32 v10, v27;
	v36 =	vshra.s32 v32, $0x1;
	v37 =	vmul.f32 $5.000000000e-01, v32  }
0xc0: {  	v51 =	vld [tilespmem:s31+$0x1000];
	v1 =	vadd.f32 v1, v3;
	v38 =	vmul.f32 v58, v31;
	v39 =	vsub.s32 $0x5F3759DF, v36  }
0xc1: {  	v35 =	vmul.f32 v10, v30;
	v40 =	vmul.f32 v39, v37  }
0xc2: {  	v1 =	vsub.f32 v5, v1;
	v6 =	vadd.f32 v29, v28;
	v41 =	vmul.f32 v38, v59  }
0xc3: {  	v55 =	vadd.s32 $0x80, v46;
	v4 =	vsub.f32 $1.500000000e+00, v35;
	v7 =	vmul.f32 v39, v40  }
0xc4: {  	v56 =	vld [tilespmem:s30+$0x80];
	v45 =	vmul.f32 $8.000000110e-01, v1;
	v2 =	vsub.f32 v2, v6;
	v3 =	vmul.f32 v41, v38  }
0xc5: {  	v54 =	vld.idx.msk [tilespmem:v46+s14+$0x0], $0xffff;
	v28 =	vmul.f32 v52, v51;
	v4 =	vmul.f32 v10, v4;
	v43 =	vsub.f32 $1.500000000e+00, v7  }
0xc6: {  	v1 =	vmul.f32 v45, v1;
	v44 =	vmul.f32 $1.200000050e+00, v2;
	v3 =	vsub.f32 $1.500000000e+00, v3  }
0xc7: {  	v42 =	vmul.f32 v4, v27;
	v6 =	vmul.f32 v39, v43  }
0xc8: {  	v2 =	vmul.f32 v44, v2;
	v3 =	vmul.f32 v3, v38  }
0xc9: {  	v35 =	vadd.s32 $0x80, v56;
	v5 =	vmul.f32 v42, v4;
	v47 =	vmul.f32 v6, v37  }
0xca: {  	v12 =	vld.idx.msk [tilespmem:v46+s17+$0x0], $0xffff;
	v15 =	vmul.f32 v54, v28;
	v41 =	vsub.f32 $1.000000000e+00, v51;
	v49 =	vmul.f32 v3, v59  }
0xcb: {  	v61 =	vld.idx.msk [tilespmem:v55+s14+$0x0], $0xffff;
	v1 =	vadd.f32 v1, v2;
	v5 =	vsub.f32 $1.500000000e+00, v5;
	v48 =	vmul.f32 v47, v6  }
0xcc: {  	v62 =	vld.idx.msk [tilespmem:v55+s15+$0x0], $0xffff;
	v10 =	vmul.f32 v41, v52;
	v2 =	vmul.f32 v49, v3  }
0xcd: {  	v58 =	vld.idx.msk [tilespmem:v46+s15+$0x0], $0xffff;
	v5 =	vmul.f32 v5, v4;
	v4 =	vmax.f32 v1, $1.000000000e-30;
	v0 =	vsub.f32 $1.500000000e+00, v48  }
0xce: {  	v45 =	vld.idx.msk [tilespmem:v35+s15+$0x0], $0xffff;
	v1 =	vshra.s32 v4, $0x1;
	v50 =	vmul.f32 $5.000000000e-01, v4;
	v2 =	vsub.f32 $1.500000000e+00, v2  }
0xcf: {  	v16 =	vld.idx.msk [tilespmem:v55+s17+$0x0], $0xffff;
	v11 =	vmul.f32 v5, v27;
	v53 =	vsub.s32 $0x5F3759DF, v1;
	v6 =	vmul.f32 v0, v6  }
0xd0: {  	v44 =	vld.idx.msk [tilespmem:v35+s14+$0x0], $0xffff;
	v1 =	vmul.f32 v53, v50;
	v3 =	vmul.f32 v2, v3  }
0xd1: {  	v34 =	vld.idx.msk [tilespmem:v56+s14+$0x0], $0xffff;
	v11 =	vmul.f32 v11, v5;
	v18 =	vmul.f32 v6, v37  }
0xd2: {  	v48 =	vld [tilespmem:s30+$0x180];
	v57 =	vmul.f32 v53, v1;
	v9 =	vmul.f32 v3, v9  }
0xd3: {  	v20 =	vmul.f32 v58, v10;
	v58 =	vmul.f32 v45, v10;
	v0 =	vpop (erf);
	v37 =	vld [tilespmem:s30+$0x100];
	v11 =	vsub.f32 $1.500000000e+00, v11  }
0xd4: {  	v17 =	vld.idx.msk [tilespmem:v56+s17+$0x0], $0xffff;
	v18 =	vmul.f32 v18, v6;
	v1 =	vpop (erf);
	v19 =	vsub.f32 $1.500000000e+00, v57;
	v9 =	vmul.f32 $-1.000000000e+01, v9  }
0xd5: {  	v40 =	vld.idx.msk [tilespmem:v56+s16+$0x0], $0xffff;
	v57 =	vmul.f32 v44, v28;
	v60 =	vadd.f32 v1, v0;
	v5 =	vmul.f32 v11, v5  }
0xd6: {  	v38 =	vld.idx.msk [tilespmem:v56+s15+$0x0], $0xffff;
	v2 =	vpop (erf);
	v18 =	vsub.f32 $1.500000000e+00, v18;
	v11 =	vmul.f32 v61, v28;
	v13 =	vmul.f32 v53, v19  }
0xd7: {  	v25 =	vld.idx.msk [tilespmem:v35+s17+$0x0], $0xffff;
	v9 =	vmul.f32 $1.442695020e+00, v9;
	v19 =	vmul.f32 v62, v10;
	v23 =	vadd.f32 v2, v60  }
0xd8: {  	v59 =	vld.idx.msk [tilespmem:v46+s16+$0x0], $0xffff;
	v3 =	vpop (erf);
	v5 =	vmul.f32 v5, v63;
	v6 =	vmul.f32 v18, v6  }
0xd9: {  	v46 =	vld.idx.msk [tilespmem:v35+s16+$0x0], $0xffff;
	v53 =	vmul.f32 v34, v28;
	v33 =	vmul.f32 v13, v50;
	v23 =	vadd.f32 v3, v23  }
0xda: {  	v34 =	vld.idx.msk [tilespmem:v48+s16+$0x0], $0xffff;
	v5 =	vmul.f32 $-1.000000000e+01, v5;
	v6 =	vmul.f32 v6, v32  }
0xdb: {  	v31 =	vadd.s32 $0x80, v37;
	v30 =	vld.idx.msk [tilespmem:v37+s14+$0x0], $0xffff;
	v36 =	vmul.f32 v33, v13;
	(erf) = vrcp.f32 v23  }
0xdc: {  	v32 =	vld.idx.msk [tilespmem:v48+s15+$0x0], $0xffff;
	v5 =	vmul.f32 $1.442695020e+00, v5;
	v6 =	vmul.f32 $-1.000000000e+01, v6  }
0xdd: {  	v43 =	vsub.f32 $1.000000000e+00, v52;
	v63 =	vld.idx.msk [tilespmem:v55+s16+$0x0], $0xffff;
	v23 =	vmul.f32 v38, v10;
	(erf) = vpow2.f32 v9  }
0xde: {  	v54 =	vld.idx.msk [tilespmem:v37+s16+$0x0], $0xffff;
	v39 =	vsub.f32 $1.500000000e+00, v36;
	(erf) = vpow2.f32 v5;
	v42 =	vmul.f32 $1.442695020e+00, v6  }
0xdf: {  	v18 =	vld.idx.msk [tilespmem:v37+s17+$0x0], $0xffff;
	v6 =	vmul.f32 v43, v51;
	v5 =	vmul.f32 v43, v41  }
0xe0: {  	v56 =	vld.idx.msk [tilespmem:v31+s14+$0x0], $0xffff;
	v9 =	vmul.f32 v39, v13;
	v62 =	vmul.f32 v30, v28  }
0xe1: {  	v60 =	vld.idx.msk [tilespmem:v31+s16+$0x0], $0xffff;
	v44 =	vmul.f32 v32, v10;
	v49 =	vmul.f32 v59, v6  }
0xe2: {  	v61 =	vld.idx.msk [tilespmem:v31+s17+$0x0], $0xffff;
	v12 =	vmul.f32 v12, v5;
	v16 =	vmul.f32 v16, v5  }
0xe3: {  	v47 =	vadd.f32 v20, v15;
	v51 =	vld.idx.msk [tilespmem:v37+s15+$0x0], $0xffff;
	v14 =	vmul.f32 v40, v6;
	(erf) = vpow2.f32 v42  }
0xe4: {  	v55 =	vadd.f32 v23, v53;
	v39 =	vld [tilespmem:s30+$0x200];
	v17 =	vmul.f32 v17, v5;
	v8 =	vmul.f32 v46, v6  }
0xe5: {  	v30 =	vadd.s32 $0x80, v48;
	v59 =	vld.idx.msk [tilespmem:v31+s15+$0x0], $0xffff;
	v31 =	vmul.f32 v25, v5;
	v24 =	vmul.f32 v54, v6  }
0xe6: {  	v11 =	vadd.f32 v19, v11;
	v37 =	vmul.f32 v18, v5;
	v7 =	vmul.f32 v9, v50  }
0xe7: {  	v50 =	vmul.f32 v63, v6;
	v63 =	vld.idx.msk [tilespmem:v48+s14+$0x0], $0xffff;
	v20 =	vmul.f32 v56, v28;
	v14 =	vadd.f32 v14, v55  }
0xe8: {  	v35 =	vld.idx.msk [tilespmem:v48+s17+$0x0], $0xffff;
	v48 =	vmul.f32 v34, v6;
	v13 =	vadd.f32 v49, v47;
	v7 =	vmul.f32 v7, v9  }
0xe9: {  	v11 =	vadd.f32 v50, v11;
	v21 =	vmul.f32 v51, v10;
	v14 =	vadd.f32 v17, v14  }
0xea: {  	v42 =	vld.idx.msk [tilespmem:v30+s14+$0x0], $0xffff;
	v50 =	vadd.s32 $0x80, v39;
	v52 =	vsub.f32 $1.500000000e+00, v7;
	v7 =	vadd.f32 v12, v13  }
0xeb: {  	v45 =	vld.idx.msk [tilespmem:v30+s15+$0x0], $0xffff;
	v12 =	vadd.f32 v58, v57;
	v19 =	vadd.f32 v21, v62;
	v33 =	vmul.f32 v59, v10  }
0xec: {  	v49 =	vld.idx.msk [tilespmem:v30+s16+$0x0], $0xffff;
	v11 =	vadd.f32 v16, v11;
	v16 =	vmul.f32 v60, v6;
	v43 =	vmul.f32 v63, v28  }
0xed: {  	v8 =	vadd.f32 v8, v12;
	v9 =	vmul.f32 v52, v9;
	v36 =	vadd.f32 v24, v19;
	v52 =	vld.idx.msk [tilespmem:v30+s17+$0x0], $0xffff  }
0xee: {  	v13 =	vmul.f32 v61, v5;
	v38 =	vadd.f32 v33, v20;
	v14 =	vsub.f32 v7, v14;
	v55 =	vld.idx.msk [tilespmem:v39+s14+$0x0], $0xffff  }
0xef: {  	v12 =	vmul.f32 v35, v5;
	v59 =	vld.idx.msk [tilespmem:v39+s15+$0x0], $0xffff;
	v17 =	vadd.f32 v44, v43;
	v8 =	vadd.f32 v31, v8  }
0xf0: {  	v19 =	vld.idx.msk [tilespmem:v39+s17+$0x0], $0xffff;
	v15 =	vadd.f32 v37, v36;
	v46 =	vmul.f32 $1.200000050e+00, v14;
	v53 =	vmul.f32 v42, v28  }
0xf1: {  	v16 =	vadd.f32 v16, v38;
	v54 =	vmul.f32 v45, v10;
	v4 =	vmul.f32 v9, v4  }
0xf2: {  	v58 =	vmul.f32 v49, v6;
	v60 =	vld.idx.msk [tilespmem:v50+s14+$0x0], $0xffff;
	v51 =	vadd.f32 v48, v17;
	v8 =	vsub.f32 v11, v8  }
0xf3: {  	v14 =	vmul.f32 v46, v14;
	v13 =	vadd.f32 v13, v16;
	v56 =	vsub.f32 v7, v15  }
0xf4: {  	v29 =	vld.idx.msk [tilespmem:v50+s15+$0x0], $0xffff;
	v57 =	vadd.f32 v54, v53;
	v63 =	vmul.f32 v52, v5;
	v9 =	vmul.f32 v55, v28  }
0xf5: {  	v44 =	vld.idx.msk [tilespmem:v50+s16+$0x0], $0xffff;
	v12 =	vadd.f32 v12, v51;
	v18 =	vmul.f32 v59, v10;
	v52 =	vmul.f32 v19, v5  }
0xf6: {  	v50 =	vld.idx.msk [tilespmem:v50+s17+$0x0], $0xffff;
	v47 =	vmul.f32 $8.000000110e-01, v8;
	v13 =	vsub.f32 v11, v13;
	v61 =	vmul.f32 $1.200000050e+00, v56  }
0xf7: {  	v15 =	vadd.f32 v58, v57;
	v20 =	vmul.f32 v60, v28;
	v12 =	vsub.f32 v7, v12  }
0xf8: {  	v43 =	vld.idx.msk [tilespmem:v39+s16+$0x0], $0xffff;
	v9 =	vadd.f32 v18, v9;
	v8 =	vmul.f32 v47, v8;
	v62 =	vmul.f32 $8.000000110e-01, v13  }
0xf9: {  	v10 =	vmul.f32 v29, v10;
	v15 =	vadd.f32 v63, v15;
	v46 =	vmul.f32 $1.200000050e+00, v12  }
0xfa: {  	v8 =	vadd.f32 v8, v14;
	v14 =	vmul.f32 v61, v56;
	v13 =	vmul.f32 v62, v13  }
0xfb: {  	v5 =	vmul.f32 v50, v5;
	v10 =	vadd.f32 v10, v20;
	v15 =	vsub.f32 v11, v15  }
0xfc: {  	v12 =	vmul.f32 v46, v12;
	v8 =	vmax.f32 v8, $1.000000000e-30;
	v13 =	vadd.f32 v13, v14  }
0xfd: {  	v47 =	vmul.f32 $8.000000110e-01, v15;
	v14 =	vmul.f32 v43, v6;
	v40 =	vshra.s32 v8, $0x1  }
0xfe: {  	s30 =	sor.u32 $0x30, s24;
	v6 =	vmul.f32 v44, v6;
	v30 =	vmul.f32 $5.000000000e-01, v8;
	v41 =	vsub.s32 $0x5F3759DF, v40  }
0xff: {  	s28 =	sor.u32 s30, s28;
	v13 =	vmax.f32 v13, $1.000000000e-30;
	v15 =	vmul.f32 v47, v15;
	v9 =	vadd.f32 v14, v9  }
0x100: {  	v31 =	vld [tilespmem:s28+$0x0];
	v6 =	vadd.f32 v6, v10;
	v42 =	vmul.f32 v41, v30;
	v48 =	vshra.s32 v13, $0x1  }
0x101: {  	v49 =	vmul.f32 $5.000000000e-01, v13;
	v24 =	vsub.s32 $0x5F3759DF, v48;
	v9 =	vadd.f32 v52, v9  }
0x102: {  	v12 =	vadd.f32 v15, v12;
	v5 =	vadd.f32 v5, v6;
	v45 =	vmul.f32 v41, v42  }
0x103: {  	v4 =	vmul.f32 $-1.000000000e+01, v4;
	v51 =	vmul.f32 v24, v49;
	v7 =	vsub.f32 v7, v9  }
0x104: {  	v12 =	vmax.f32 v12, $1.000000000e-30;
	v5 =	vsub.f32 v11, v5;
	v18 =	vsub.f32 $1.500000000e+00, v45  }
0x105: {  	v53 =	vmul.f32 v24, v51;
	v55 =	vshra.s32 v12, $0x1;
	v56 =	vmul.f32 $5.000000000e-01, v12  }
0x106: {  	v17 =	vsub.s32 $0x5F3759DF, v55;
	v39 =	vmul.f32 $1.200000050e+00, v7;
	v40 =	vmul.f32 $8.000000110e-01, v5  }
0x107: {  	v59 =	vld [tilespmem:s28+$0x80];
	v16 =	vmul.f32 v41, v18;
	v15 =	vsub.f32 $1.500000000e+00, v53;
	v32 =	vmul.f32 v17, v56  }
0x108: {  	v22 =	vld.idx.msk [tilespmem:v31+s14+$0x0], $0xffff;
	v7 =	vmul.f32 v39, v7;
	v5 =	vmul.f32 v40, v5  }
0x109: {  	v61 =	vld.idx.msk [tilespmem:v31+s15+$0x0], $0xffff;
	v54 =	vmul.f32 v16, v30;
	v15 =	vmul.f32 v24, v15  }
0x10a: {  	v4 =	vmul.f32 $1.442695020e+00, v4;
	v58 =	vadd.s32 $0x80, v31;
	v63 =	vld.idx.msk [tilespmem:v31+s16+$0x0], $0xffff;
	v35 =	vmul.f32 v17, v32  }
0x10b: {  	s26 =	sor.u32 s26, s30;
	v19 =	vld.idx.msk [tilespmem:v31+s17+$0x0], $0xffff;
	v5 =	vadd.f32 v5, v7;
	v10 =	vmul.f32 v54, v16;
	v34 =	vmul.f32 v15, v49  }
0x10c: {  	(erf) = vpow2.f32 v4;
	v41 =	vld [tilespmem:s26+$0x1400];
	v38 =	vsub.f32 $1.500000000e+00, v35  }
0x10d: {  	v9 =	vmax.f32 v5, $1.000000000e-30;
	v33 =	vsub.f32 $1.500000000e+00, v10;
	v37 =	vmul.f32 v34, v15;
	v10 =	vld [tilespmem:s26+$0x1000]  }
0x10e: {  	v17 =	vmul.f32 v17, v38;
	v47 =	vshra.s32 v9, $0x1;
	v28 =	vmul.f32 $5.000000000e-01, v9;
	v34 =	vld [tilespmem:s28+$0x100]  }
0x10f: {  	v23 =	vld.idx.msk [tilespmem:v58+s17+$0x0], $0xffff;
	v27 =	vsub.s32 $0x5F3759DF, v47;
	v36 =	vmul.f32 v33, v16;
	v6 =	vsub.f32 $1.500000000e+00, v37  }
0x110: {  	v14 =	vld.idx.msk [tilespmem:v59+s17+$0x0], $0xffff;
	v60 =	vmul.f32 v17, v56;
	v51 =	vmul.f32 v27, v28  }
0x111: {  	v48 =	vld.idx.msk [tilespmem:v58+s15+$0x0], $0xffff;
	v33 =	vadd.s32 $0x80, v59;
	v57 =	vmul.f32 v36, v30;
	v15 =	vmul.f32 v6, v15  }
0x112: {  	v52 =	vld.idx.msk [tilespmem:v59+s15+$0x0], $0xffff;
	v42 =	vmul.f32 v60, v17;
	v26 =	vmul.f32 v27, v51;
	v60 =	vsub.f32 $1.000000000e+00, v41  }
0x113: {  	v45 =	vld.idx.msk [tilespmem:v58+s14+$0x0], $0xffff;
	v37 =	vmul.f32 v41, v10;
	v39 =	vadd.s32 $0x80, v34;
	v62 =	vmul.f32 v57, v36  }
0x114: {  	v40 =	vld [tilespmem:s28+$0x180];
	v44 =	vmul.f32 v15, v49;
	v46 =	vsub.f32 $1.500000000e+00, v42;
	v26 =	vsub.f32 $1.500000000e+00, v26  }
0x115: {  	v32 =	vld.idx.msk [tilespmem:v59+s14+$0x0], $0xffff;
	v57 =	vsub.f32 $1.000000000e+00, v10;
	v10 =	vmul.f32 v60, v10;
	v22 =	vmul.f32 v22, v37  }
0x116: {  	v4 =	vpop (erf);
	v35 =	vld.idx.msk [tilespmem:v59+s16+$0x0], $0xffff;
	v43 =	vsub.f32 $1.500000000e+00, v62;
	v24 =	vmul.f32 v44, v15;
	v17 =	vmul.f32 v46, v17  }
0x117: {  	v5 =	vpop (erf);
	v49 =	vld.idx.msk [tilespmem:v58+s16+$0x0], $0xffff;
	v54 =	vmul.f32 v27, v26;
	v20 =	vmul.f32 v57, v41  }
0x118: {  	v6 =	vpop (erf);
	v55 =	vld.idx.msk [tilespmem:v33+s14+$0x0], $0xffff;
	v21 =	vmul.f32 v63, v10;
	v11 =	vmul.f32 v43, v36  }
0x119: {  	v50 =	vadd.f32 v6, v5;
	v58 =	vld.idx.msk [tilespmem:v33+s15+$0x0], $0xffff;
	v18 =	vmul.f32 v17, v56;
	v59 =	vmul.f32 v54, v28  }
0x11a: {  	v24 =	vsub.f32 $1.500000000e+00, v24;
	v16 =	vmul.f32 v61, v20;
	v61 =	vld.idx.msk [tilespmem:v34+s15+$0x0], $0xffff;
	v41 =	vmul.f32 v48, v20  }
0x11b: {  	v7 =	vpop (erf);
	v63 =	vld.idx.msk [tilespmem:v39+s14+$0x0], $0xffff;
	v43 =	vmul.f32 v32, v37;
	v48 =	vmul.f32 v35, v10  }
0x11c: {  	v31 =	vadd.f32 v7, v50;
	v42 =	vld.idx.msk [tilespmem:v39+s15+$0x0], $0xffff;
	v11 =	vmul.f32 v11, v8;
	v15 =	vmul.f32 v24, v15  }
0x11d: {  	v44 =	vld.idx.msk [tilespmem:v39+s16+$0x0], $0xffff;
	v8 =	vpop (erf);
	v18 =	vmul.f32 v18, v17;
	v24 =	vmul.f32 v52, v20  }
0x11e: {  	v38 =	vld.idx.msk [tilespmem:v34+s14+$0x0], $0xffff;
	v50 =	vmul.f32 v55, v37;
	v51 =	vmul.f32 v58, v20;
	v31 =	vadd.f32 v8, v31  }
0x11f: {  	v47 =	vadd.s32 $0x80, v40;
	v27 =	vld [tilespmem:s28+$0x200];
	v11 =	vmul.f32 $-1.000000000e+01, v11;
	v13 =	vmul.f32 v15, v13  }
0x120: {  	v36 =	vld.idx.msk [tilespmem:v33+s16+$0x0], $0xffff;
	v16 =	vadd.f32 v16, v22;
	(erf) = vrcp.f32 v31;
	v31 =	vmul.f32 v61, v20  }
0x121: {  	v22 =	vld.idx.msk [tilespmem:v34+s16+$0x0], $0xffff;
	v53 =	vsub.f32 $1.500000000e+00, v18;
	v18 =	vmul.f32 v63, v37;
	v25 =	vmul.f32 v42, v20  }
0x122: {  	v46 =	vld.idx.msk [tilespmem:v39+s17+$0x0], $0xffff;
	v39 =	vmul.f32 v44, v10;
	v11 =	vmul.f32 $1.442695020e+00, v11  }
0x123: {  	v33 =	vld.idx.msk [tilespmem:v33+s17+$0x0], $0xffff;
	v56 =	vmul.f32 $-1.000000000e+01, v13;
	v15 =	vmul.f32 v53, v17  }
0x124: {  	v52 =	vld.idx.msk [tilespmem:v40+s15+$0x0], $0xffff;
	v17 =	vmul.f32 v59, v54;
	v13 =	vmul.f32 v60, v57  }
0x125: {  	v58 =	vld.idx.msk [tilespmem:v47+s15+$0x0], $0xffff;
	v16 =	vadd.f32 v21, v16;
	v53 =	vmul.f32 v36, v10;
	v57 =	vmul.f32 v38, v37  }
0x126: {  	v21 =	vadd.f32 v51, v50;
	v59 =	vld.idx.msk [tilespmem:v40+s17+$0x0], $0xffff;
	v22 =	vmul.f32 v22, v10;
	(erf) = vpow2.f32 v11  }
0x127: {  	v60 =	vadd.s32 $0x80, v27;
	v42 =	vld.idx.msk [tilespmem:v27+s14+$0x0], $0xffff;
	v11 =	vmul.f32 $1.442695020e+00, v56;
	v62 =	vmul.f32 v19, v13  }
0x128: {  	v44 =	vld.idx.msk [tilespmem:v27+s15+$0x0], $0xffff;
	v18 =	vadd.f32 v25, v18;
	v23 =	vmul.f32 v23, v13;
	v14 =	vmul.f32 v14, v13  }
0x129: {  	v55 =	vmul.f32 v33, v13;
	v61 =	vadd.f32 v31, v57;
	v30 =	vmul.f32 v46, v13;
	v57 =	vld.idx.msk [tilespmem:v27+s17+$0x0], $0xffff  }
0x12a: {  	v17 =	vsub.f32 $1.500000000e+00, v17;
	(erf) = vpow2.f32 v11;
	v11 =	vmul.f32 v15, v12;
	v12 =	vld.idx.msk [tilespmem:v34+s17+$0x0], $0xffff  }
0x12b: {  	v21 =	vadd.f32 v53, v21;
	v34 =	vmul.f32 v45, v37;
	v45 =	vmul.f32 v49, v10;
	v49 =	vld.idx.msk [tilespmem:v40+s14+$0x0], $0xffff  }
0x12c: {  	v18 =	vadd.f32 v39, v18;
	v15 =	vmul.f32 v17, v54;
	v16 =	vadd.f32 v62, v16;
	v54 =	vld.idx.msk [tilespmem:v40+s16+$0x0], $0xffff  }
0x12d: {  	v17 =	vadd.f32 v24, v43;
	v62 =	vld.idx.msk [tilespmem:v47+s16+$0x0], $0xffff;
	v24 =	vmul.f32 v52, v20;
	v43 =	vmul.f32 v58, v20  }
0x12e: {  	v40 =	vld.idx.msk [tilespmem:v47+s17+$0x0], $0xffff;
	v18 =	vadd.f32 v30, v18;
	v19 =	vadd.f32 v41, v34;
	v28 =	vmul.f32 v15, v28  }
0x12f: {  	v52 =	vld.idx.msk [tilespmem:v27+s16+$0x0], $0xffff;
	v51 =	vmul.f32 v42, v37;
	v53 =	vmul.f32 v44, v20;
	v17 =	vadd.f32 v48, v17  }
0x130: {  	v56 =	vld.idx.msk [tilespmem:v47+s14+$0x0], $0xffff;
	v11 =	vmul.f32 $-1.000000000e+01, v11;
	v19 =	vadd.f32 v45, v19;
	v28 =	vmul.f32 v28, v15  }
0x131: {  	v47 =	vld.idx.msk [tilespmem:v60+s15+$0x0], $0xffff;
	v14 =	vadd.f32 v14, v17;
	v41 =	vmul.f32 v49, v37;
	v12 =	vmul.f32 v12, v13  }
0x132: {  	v17 =	vadd.f32 v55, v21;
	v45 =	vld.idx.msk [tilespmem:v60+s14+$0x0], $0xffff;
	v46 =	vmul.f32 v54, v10;
	v26 =	vmul.f32 v62, v10  }
0x133: {  	v21 =	vadd.f32 v22, v61;
	v49 =	vmul.f32 v59, v13;
	v50 =	vmul.f32 v40, v13;
	v54 =	vld.idx.msk [tilespmem:v60+s16+$0x0], $0xffff  }
0x134: {  	v59 =	vld.idx.msk [tilespmem:v60+s17+$0x0], $0xffff;
	v60 =	vmul.f32 v52, v10;
	v62 =	vmul.f32 v57, v13;
	v19 =	vadd.f32 v23, v19  }
0x135: {  	v63 =	vsub.f32 $1.500000000e+00, v28;
	v23 =	vmul.f32 v56, v37;
	v14 =	vsub.f32 v16, v14  }
0x136: {  	v20 =	vmul.f32 v47, v20;
	v56 =	vadd.f32 v53, v51;
	v22 =	vadd.f32 v24, v41  }
0x137: {  	v12 =	vadd.f32 v12, v21;
	v23 =	vadd.f32 v43, v23;
	v15 =	vmul.f32 v63, v15  }
0x138: {  	v17 =	vsub.f32 v19, v17;
	v55 =	vmul.f32 $1.200000050e+00, v14;
	v18 =	vsub.f32 v19, v18  }
0x139: {  	v48 =	vadd.f32 v46, v22;
	v24 =	vmul.f32 v45, v37;
	v12 =	vsub.f32 v16, v12  }
0x13a: {  	v23 =	vadd.f32 v26, v23;
	v58 =	vmul.f32 $8.000000110e-01, v17;
	v14 =	vmul.f32 v55, v14  }
0x13b: {  	v10 =	vmul.f32 v54, v10;
	v63 =	vmul.f32 $8.000000110e-01, v18;
	v21 =	vadd.f32 v49, v48  }
0x13c: {  	v13 =	vmul.f32 v59, v13;
	v20 =	vadd.f32 v20, v24;
	v24 =	vadd.f32 v60, v56  }
0x13d: {  	v61 =	vmul.f32 $1.200000050e+00, v12;
	v23 =	vadd.f32 v50, v23;
	v17 =	vmul.f32 v58, v17  }
0x13e: {  	v26 =	vmul.f32 v63, v18;
	v10 =	vadd.f32 v10, v20;
	v27 =	vsub.f32 v16, v21  }
0x13f: {  	v12 =	vmul.f32 v61, v12;
	v29 =	vadd.f32 v62, v24;
	v14 =	vadd.f32 v17, v14  }
0x140: {  	v11 =	vmul.f32 $1.442695020e+00, v11;
	v28 =	vsub.f32 v19, v23;
	v10 =	vadd.f32 v13, v10  }
0x141: {  	v12 =	vadd.f32 v26, v12;
	v31 =	vmul.f32 $1.200000050e+00, v27;
	v14 =	vmax.f32 v14, $1.000000000e-30  }
0x142: {  	v16 =	vsub.f32 v16, v29;
	v32 =	vmul.f32 $8.000000110e-01, v28;
	v30 =	vshra.s32 v14, $0x1  }
0x143: {  	v33 =	vmul.f32 $5.000000000e-01, v14;
	v10 =	vsub.f32 v19, v10;
	v17 =	vmul.f32 v31, v27  }
0x144: {  	v12 =	vmax.f32 v12, $1.000000000e-30;
	v35 =	vmul.f32 $1.200000050e+00, v16;
	v34 =	vmul.f32 v32, v28  }
0x145: {  	v13 =	vsub.s32 $0x5F3759DF, v30;
	v39 =	vmul.f32 $5.000000000e-01, v12;
	v36 =	vmul.f32 $8.000000110e-01, v10  }
0x146: {  	v38 =	vshra.s32 v12, $0x1;
	v37 =	vmul.f32 v13, v33;
	v16 =	vmul.f32 v35, v16  }
0x147: {  	v41 =	vsub.s32 $0x5F3759DF, v38;
	v17 =	vadd.f32 v34, v17;
	v10 =	vmul.f32 v36, v10  }
0x148: {  	v9 =	vmul.f32 v15, v9;
	v42 =	vmul.f32 v41, v39  }
0x149: {  	v40 =	vmul.f32 v13, v37;
	v17 =	vmax.f32 v17, $1.000000000e-30;
	v10 =	vadd.f32 v10, v16  }
0x14a: {  	v19 =	vmul.f32 v41, v42;
	v43 =	vshra.s32 v17, $0x1;
	v44 =	vmul.f32 $5.000000000e-01, v17  }
0x14b: {  	v15 =	vsub.f32 $1.500000000e+00, v40;
	v16 =	vsub.s32 $0x5F3759DF, v43;
	v10 =	vmax.f32 v10, $1.000000000e-30  }
0x14c: {  	v45 =	vmul.f32 v16, v44;
	v46 =	vshra.s32 v10, $0x1;
	v47 =	vmul.f32 $5.000000000e-01, v10  }
0x14d: {  	v48 =	vsub.f32 $1.500000000e+00, v19;
	v13 =	vmul.f32 v13, v15;
	v49 =	vsub.s32 $0x5F3759DF, v46  }
0x14e: {  	v21 =	vmul.f32 v16, v45;
	v22 =	vmul.f32 v49, v47  }
0x14f: {  	v15 =	vmul.f32 v41, v48;
	v50 =	vmul.f32 v13, v33  }
0x150: {  	v9 =	vmul.f32 $-1.000000000e+01, v9;
	v51 =	vsub.f32 $1.500000000e+00, v21;
	v52 =	vmul.f32 v49, v22  }
0x151: {  	v54 =	vmul.f32 v15, v39;
	v53 =	vmul.f32 v50, v13  }
0x152: {  	(erf) = vpow2.f32 v11;
	v55 =	vmul.f32 v16, v51;
	v56 =	vsub.f32 $1.500000000e+00, v52  }
0x153: {  	v9 =	vmul.f32 $1.442695020e+00, v9;
	v58 =	vmul.f32 v54, v15;
	v57 =	vsub.f32 $1.500000000e+00, v53  }
0x154: {  	v59 =	vmul.f32 v55, v44;
	v16 =	vmul.f32 v49, v56  }
0x155: {  	(erf) = vpow2.f32 v9;
	v61 =	vsub.f32 $1.500000000e+00, v58;
	v60 =	vmul.f32 v57, v13  }
0x156: {  	v62 =	vmul.f32 v59, v55;
	v63 =	vmul.f32 v16, v47  }
0x157: {  	v13 =	vmul.f32 v61, v15;
	v26 =	vmul.f32 v60, v33  }
0x158: {  	v27 =	vsub.f32 $1.500000000e+00, v62;
	v28 =	vmul.f32 v63, v16  }
0x159: {  	v29 =	vpop (erf);
	v30 =	vmul.f32 v13, v39;
	v21 =	vmul.f32 v26, v60  }
0x15a: {  	v31 =	vpop (erf);
	v11 =	vmul.f32 v27, v55;
	v32 =	vsub.f32 $1.500000000e+00, v28  }
0x15b: {  	v33 =	vpop (erf);
	v22 =	vmul.f32 v30, v13;
	v21 =	vsub.f32 $1.500000000e+00, v21  }
0x15c: {  	v34 =	vadd.f32 v33, v31;
	v20 =	vmul.f32 v11, v44;
	v15 =	vmul.f32 v32, v16  }
0x15d: {  	v35 =	vpop (erf);
	v22 =	vsub.f32 $1.500000000e+00, v22;
	v9 =	vmul.f32 v21, v60  }
0x15e: {  	v16 =	vadd.f32 v35, v34;
	v20 =	vmul.f32 v20, v11;
	v36 =	vmul.f32 v15, v47  }
0x15f: {  	v37 =	vpop (erf);
	v13 =	vmul.f32 v22, v13;
	v9 =	vmul.f32 v9, v14  }
0x160: {  	v16 =	vadd.f32 v37, v16;
	v20 =	vsub.f32 $1.500000000e+00, v20;
	v38 =	vmul.f32 v36, v15  }
0x161: {  	v12 =	vmul.f32 v13, v12;
	v9 =	vmul.f32 $-1.000000000e+01, v9  }
0x162: {  	(erf) = vrcp.f32 v16;
	v11 =	vmul.f32 v20, v11;
	v39 =	vsub.f32 $1.500000000e+00, v38  }
0x163: {  	v12 =	vmul.f32 $-1.000000000e+01, v12;
	v9 =	vmul.f32 $1.442695020e+00, v9  }
0x164: {  	v11 =	vmul.f32 v11, v17;
	v13 =	vmul.f32 v39, v15  }
0x165: {  	v40 =	vmul.f32 $1.442695020e+00, v12;
	(erf) = vpow2.f32 v9  }
0x166: {  	v11 =	vmul.f32 $-1.000000000e+01, v11;
	v10 =	vmul.f32 v13, v10  }
0x167: {  	(erf) = vpow2.f32 v40  }
0x168: {  	v41 =	vmul.f32 $1.442695020e+00, v11;
	v10 =	vmul.f32 $-1.000000000e+01, v10;
	_ =	sdelay $0x1  }
0x169: {  	(erf) = vpow2.f32 v41;
	v42 =	vmul.f32 $1.442695020e+00, v10;
	_ =	sdelay $0x1  }
0x16a: {  	(erf) = vpow2.f32 v42;
	_ =	sdelay $0x2  }
0x16b: {  	v43 =	vpop (erf)  }
0x16c: {  	v44 =	vpop (erf)  }
0x16d: {  	v45 =	vpop (erf)  }
0x16e: {  	v46 =	vadd.f32 v45, v44  }
0x16f: {  	v47 =	vpop (erf)  }
0x170: {  	s31 =	sshll.u32 s22, $0x6;
	v12 =	vadd.f32 v47, v46  }
0x171: {  	s26 =	sand.u32 $0x3FFFFE00, s31;
	v48 =	vpop (erf)  }
0x172: {  	v0 =	vmul.f32 v4, v0;
	s26 =	sadd.s32 $0x1C00, s26;
	v12 =	vadd.f32 v48, v12  }
0x173: {  	v1 =	vmul.f32 v4, v1;
	s24 =	sor.u32 s24, s26  }
0x174: {  	[tilespmem:s24+$0x0] =	vst v0;
	v50 =	vmul.f32 v4, v3;
	(erf) = vrcp.f32 v12  }
0x175: {  	[tilespmem:s24+$0x80] =	vst v1;
	v54 =	vmul.f32 v29, v8  }
0x176: {  	s28 =	sor.u32 s25, s26;
	v51 =	vmul.f32 v29, v5;
	[tilespmem:s24+$0x180] =	vst v50  }
0x177: {  	v53 =	vmul.f32 v29, v7;
	[tilespmem:s28+$0x180] =	vst v54  }
0x178: {  	v52 =	vmul.f32 v29, v6;
	[tilespmem:s28+$0x0] =	vst v51  }
0x179: {  	[tilespmem:s28+$0x100] =	vst v53;
	v49 =	vmul.f32 v4, v2  }
0x17a: {  	[tilespmem:s28+$0x80] =	vst v52;
	v55 =	vmul.f32 v43, v31  }
0x17b: {  	s29 =	sor.u32 s29, s26;
	[tilespmem:s24+$0x100] =	vst v49;
	v56 =	vmul.f32 v43, v33  }
0x17c: {  	v57 =	vmul.f32 v43, v35;
	[tilespmem:s29+$0x0] =	vst v55  }
0x17d: {  	v58 =	vmul.f32 v43, v37;
	[tilespmem:s29+$0x80] =	vst v56;
	v59 =	vpop (erf)  }
0x17e: {  	p0 =	slt.u32 s22, $0x1C;
	[tilespmem:s29+$0x100] =	vst v57;
	v60 =	vmul.f32 v59, v44  }
.Ltmp0:
0x17f: {  	s31 =	sor.u32 s30, s26;
	[tilespmem:s29+$0x180] =	vst v58;
	v61 =	vmul.f32 v59, v45;
	(pc) =	sbr.rel @p0 .LBB2_2-.Ltmp0, $4  }
0x180: {  	v62 =	vmul.f32 v59, v47;
	[tilespmem:s31+$0x0] =	vst v60  }
0x181: {  	v63 =	vmul.f32 v59, v48;
	[tilespmem:s31+$0x80] =	vst v61  }
0x182: {  	[tilespmem:s31+$0x100] =	vst v62  }
0x183: {  	s23 =	sadd.s32 $0x40, s23;
	[tilespmem:s31+$0x180] =	vst v63  }
0x184: {  	s21 =	sadd.s32 $0x1, s21  }
0x185: {  	p0 =	sne.s32 s21, s11  }
.Ltmp1:
0x186: {  	_ = 	snop;
	(pc) =	sbr.rel @p0 .LBB2_1-.Ltmp1, $4  }
0x187: {  	[hbm4b:s10+s6] =	stream.linear.scatter [tilespmem:s19], [sflag:$0x2], $0x800, $0x38;
	[tilespmem:$0x2400] =	vst v63  }
0x188: {  	_ =	swait.ge [sflag:s20], $0x800  }
0x189: {  	[sflag:s20] =	ssyncset.done $0x0  }
0x18a: {  	[sflag:s20] =	ssyncadd.s32 $0xFFFFF800  }
0x18b: {  	_ =	sfence.sel $0x180000  }
0x18c: {  	[bflag:$0x0] =	sbarrier.arrive $0xFFFF  }
0x18d: {  	p0 =	sne.s32 s5, $0x0;
	_ =	strace $0x90000047  }
0x18e: {  	s0 =	sadd.s32 @!p0 $0x100000, s0;
	[bflag:$0x2] =	sbarrier.arrive $0xFFFF  }
0x18f: {  	[sflag:s0] =	ssyncadd.tile.s32 @!p0 $0x1;
	_ =	shalt  }
.Lfunc_end2:
_tile_overlayer_lowered:
.L_overlay_start_2:
0x190: {  	(tag) =	ssettag $0x2  }
0x191: {  	s0 =	rddreg [dreg:$0x0];
	s2 =	stileid.u32  }
0x192: {  	s1 =	rddreg [dreg:$0x1];
	p0 =	sne.s32 s2, $0x0  }
0x193: {  	s3 =	rddreg [dreg:$0x2];
	[bflag:$0x3] =	sbarrier.arrive $0xFFFF;
	s2 =	simm.s32 @!p0 $0x1C02  }
0x194: {  	[timem:s3], [sflag:s2] =	dma.local @!p0 [hbm:s0], s1  }
0x195: {  	s0 =	simm.s32 @!p0 $0x2  }
0x196: {  	_ =	swait.ge @!p0 [sflag:s0], s1  }
0x197: {  	s1 =	ssub.s32 @!p0 $0x0, s1;
	[sflag:s0] =	ssyncset.done @!p0 $0x0  }
0x198: {  	[sflag:s0] =	ssyncadd.s32 @!p0 s1  }
0x199: {  	[bflag:$0x3] =	sbarrier.arrive $0xFFFF  }
0x19a: {  	_ =	shalt  }

</sc_bundles>
